<compile_context>
chip_gen: v7x
topology: tpu7x:2x2x1
jax: 0.10.2.dev20260603
libtpu: 0.0.44.dev20260713+nightly
codegen_flags: <defaults>
</compile_context>

<pallas_src>
import functools

import jax
import jax.numpy as jnp
import numpy as np
from jax import lax
from jax.experimental import pallas as pl
from jax.experimental.pallas import tpu as pltpu
from jax.experimental.pallas import tpu_sc as plsc

N_NODES = 10000
N_EDGES = 320000
D = 128
H = D // 2

NC = 2
NS = 16

CHUNK = 80
CHUNKS_PER_TILE = N_EDGES // (NS * CHUNK)

NP = 10240
ROWS_PER_TILE = NP // NS

BM = 400

_PERM = np.empty(D, dtype=np.int32)
for _h in range(4):
    _base = 32 * _h
    for _k in range(16):
        _PERM[_base + 2 * _k] = _base + _k
        _PERM[_base + 2 * _k + 1] = _base + 16 + _k


def _mm_body(x_ref, w1_ref, w2_ref, b_ref, t_ref):
    xb = x_ref[...]
    m1 = jnp.dot(xb, w1_ref[...], preferred_element_type=jnp.float32) + b_ref[...]
    m2 = jnp.dot(xb, w2_ref[...], preferred_element_type=jnp.float32)
    t_ref[0, 0] = m2[:, :H].astype(jnp.bfloat16)
    t_ref[0, 1] = m1[:, :H].astype(jnp.bfloat16)
    t_ref[1, 0] = m2[:, H:].astype(jnp.bfloat16)
    t_ref[1, 1] = m1[:, H:].astype(jnp.bfloat16)


def _precompute_table(x, w1, w2, b2d):
    return pl.pallas_call(
        _mm_body,
        grid=(N_NODES // BM,),
        in_specs=[
            pl.BlockSpec((BM, D), lambda i: (i, 0)),
            pl.BlockSpec((D, D), lambda i: (0, 0)),
            pl.BlockSpec((D, D), lambda i: (0, 0)),
            pl.BlockSpec((1, D), lambda i: (0, 0)),
        ],
        out_specs=pl.BlockSpec((NC, 2, BM, H), lambda i: (0, 0, i, 0)),
        out_shape=jax.ShapeDtypeStruct((NC, 2, N_NODES, H), jnp.bfloat16),
    )(x, w1, w2, b2d)


@functools.partial(
    pl.kernel,
    out_type=jax.ShapeDtypeStruct((N_NODES, NC, H), jnp.float32),
    mesh=plsc.VectorSubcoreMesh(core_axis_name="c", subcore_axis_name="s"),
    scratch_types=[
        pltpu.VMEM((CHUNKS_PER_TILE, CHUNK), jnp.int32),
        pltpu.VMEM((CHUNKS_PER_TILE, CHUNK), jnp.int32),
        pltpu.VMEM((CHUNK, H), jnp.bfloat16),
        pltpu.VMEM((CHUNK, H), jnp.bfloat16),
        pltpu.VMEM((CHUNK, H), jnp.bfloat16),
        pltpu.VMEM((CHUNK, H), jnp.bfloat16),
        pltpu.VMEM((CHUNK, H), jnp.float32),
        pltpu.VMEM((CHUNK, H), jnp.float32),
        pltpu.VMEM_SHARED((NP, H), jnp.float32),
        pltpu.SemaphoreType.DMA,
        pltpu.SemaphoreType.DMA,
        pltpu.SemaphoreType.DMA,
        pltpu.SemaphoreType.DMA,
        pltpu.SemaphoreType.DMA,
        pltpu.SemaphoreType.DMA,
    ],
    compiler_params=pltpu.CompilerParams(
        use_tc_tiling_on_sc=False, needs_layout_passes=False
    ),
)
def _sc_edges(t_hbm, srcg_hbm, dstg_hbm, out_hbm,
              sidx, didx, ra0, rb0, ra1, rb1, msg0, msg1, accum,
              sem_a0, sem_b0, sem_a1, sem_b1, sem_s0, sem_s1):
    c = lax.axis_index("c")
    s = lax.axis_index("s")
    tab = t_hbm.at[c]

    cp_si = pltpu.async_copy(srcg_hbm.at[s], sidx, sem_a0)
    cp_di = pltpu.async_copy(dstg_hbm.at[s], didx, sem_b0)

    zero = jnp.zeros((16,), jnp.float32)

    @pl.loop(0, CHUNK)
    def _zero_rows(e):
        for j in range(H // 16):
            msg0[e, pl.ds(j * 16, 16)] = zero
            msg1[e, pl.ds(j * 16, 16)] = zero

    row0 = s * ROWS_PER_TILE

    @pl.loop(0, ROWS_PER_TILE // CHUNK)
    def _zero_accum(k):
        pltpu.sync_copy(msg0, accum.at[pl.ds(row0 + k * CHUNK, CHUNK)])

    cp_si.wait()
    cp_di.wait()

    plsc.subcore_barrier()

    himask = jnp.full((16,), -65536, jnp.int32)

    def _relu_unpack(ra, rb, msg):
        @pl.loop(0, CHUNK, unroll=4)
        def _row(e):
            for j in range(H // 32):
                a32 = plsc.bitcast(ra[e, pl.ds(j * 32, 32)], jnp.int32)
                b32 = plsc.bitcast(rb[e, pl.ds(j * 32, 32)], jnp.int32)
                ae = plsc.bitcast(a32 << 16, jnp.float32)
                be = plsc.bitcast(b32 << 16, jnp.float32)
                ao = plsc.bitcast(a32 & himask, jnp.float32)
                bo = plsc.bitcast(b32 & himask, jnp.float32)
                msg[e, pl.ds(j * 32, 16)] = jnp.maximum(ae + be, 0.0)
                msg[e, pl.ds(j * 32 + 16, 16)] = jnp.maximum(ao + bo, 0.0)

    pltpu.async_copy(tab.at[sidx.at[0]], ra0, sem_a0)
    pltpu.async_copy(tab.at[didx.at[0]], rb0, sem_b0)
    pltpu.async_copy(msg0, accum.at[didx.at[0]], sem_s0, add=True)
    pltpu.async_copy(msg1, accum.at[didx.at[0]], sem_s1, add=True)

    @pl.loop(0, CHUNKS_PER_TILE // 2)
    def _pair(p):
        c0 = 2 * p
        c1 = c0 + 1
        c2 = jnp.minimum(c0 + 2, CHUNKS_PER_TILE - 1)

        cp_a1 = pltpu.async_copy(tab.at[sidx.at[c1]], ra1, sem_a1)
        cp_b1 = pltpu.async_copy(tab.at[didx.at[c1]], rb1, sem_b1)

        pltpu.make_async_copy(tab.at[sidx.at[c0]], ra0, sem_a0).wait()
        pltpu.make_async_copy(tab.at[didx.at[c0]], rb0, sem_b0).wait()
        pltpu.make_async_copy(msg0, accum.at[didx.at[c0]], sem_s0).wait()
        _relu_unpack(ra0, rb0, msg0)
        pltpu.async_copy(tab.at[sidx.at[c2]], ra0, sem_a0)
        pltpu.async_copy(tab.at[didx.at[c2]], rb0, sem_b0)
        pltpu.async_copy(msg0, accum.at[didx.at[c0]], sem_s0, add=True)

        cp_a1.wait()
        cp_b1.wait()
        pltpu.make_async_copy(msg1, accum.at[didx.at[c1]], sem_s1).wait()
        _relu_unpack(ra1, rb1, msg1)
        pltpu.async_copy(msg1, accum.at[didx.at[c1]], sem_s1, add=True)

    pltpu.make_async_copy(
        tab.at[sidx.at[CHUNKS_PER_TILE - 1]], ra0, sem_a0).wait()
    pltpu.make_async_copy(
        tab.at[didx.at[CHUNKS_PER_TILE - 1]], rb0, sem_b0).wait()
    pltpu.make_async_copy(msg0, accum.at[didx.at[0]], sem_s0).wait()
    pltpu.make_async_copy(msg1, accum.at[didx.at[0]], sem_s1).wait()

    plsc.subcore_barrier()
    @pl.when(s < NS - 1)
    def _full():
        pltpu.sync_copy(
            accum.at[pl.ds(row0, ROWS_PER_TILE)],
            out_hbm.at[pl.ds(row0, ROWS_PER_TILE), c],
        )

    @pl.when(s == NS - 1)
    def _tail():
        pltpu.sync_copy(
            accum.at[pl.ds(row0, N_NODES - (NS - 1) * ROWS_PER_TILE)],
            out_hbm.at[pl.ds(row0, N_NODES - (NS - 1) * ROWS_PER_TILE), c],
        )


def kernel(x, edge_index, W, b):
    perm = jnp.asarray(_PERM)
    wp = W[:, perm]
    w1 = wp[:D]
    w2 = wp[D:]
    b2d = b[perm].reshape(1, D)
    table = _precompute_table(x, w1, w2, b2d).reshape(NC, 2 * N_NODES, H)
    srcg = edge_index[0].reshape(NS, CHUNKS_PER_TILE, CHUNK) + N_NODES
    dstg = edge_index[1].reshape(NS, CHUNKS_PER_TILE, CHUNK)
    out = _sc_edges(table, srcg, dstg)
    return out.reshape(N_NODES, D)

# --- scband reference (transcript-rebuilt; emitter-appended) ---
"""Pipeline reference for scband-any-to-any-convolution-base-51170240364843 (READ-ONLY COPY).

The authoritative reference and input builder live on the scoring server;
editing this copy changes nothing except your own understanding.
"""

import jax, jax.numpy as jnp
import numpy as np

N_NODES = 10000
N_EDGES = 320000
D_FEAT = 128
UNITS = 128


def setup_inputs(seed: int = 0) -> dict:
    key = jax.random.key(seed)
    k1, k2, k3, k4 = jax.random.split(key, 4)
    x = jax.random.normal(k1, (N_NODES, D_FEAT), dtype=jnp.float32)
    edge_index = jax.random.randint(k2, (2, N_EDGES), 0, N_NODES, dtype=jnp.int32)
    # Dense message function params: input is concat([sender_node, receiver]) -> 2*D_FEAT
    W = jax.random.normal(k3, (2 * D_FEAT, UNITS), dtype=jnp.float32) * (1.0 / np.sqrt(2 * D_FEAT))
    b = jnp.zeros((UNITS,), dtype=jnp.float32)
    return {"x": x, "edge_index": edge_index, "W": W, "b": b}


def reference(x, edge_index, W, b):
    # AnyToAnyConvolutionBase example subclass (ExampleConvolution):
    #   inputs = [broadcast_from_sender_node(x), broadcast_from_receiver(x)]
    #   messages = Dense(units, relu)(concat(inputs, -1))
    #   out = pool_to_receiver(messages, reduce_type="sum")
    src = edge_index[0]
    dst = edge_index[1]  # receiver_tag = TARGET
    sender_broadcast = jnp.take(x, src, axis=0)   # broadcast_from_sender_node
    receiver_broadcast = jnp.take(x, dst, axis=0)  # broadcast_from_receiver
    inputs = jnp.concatenate([sender_broadcast, receiver_broadcast], axis=-1)
    messages = jax.nn.relu(inputs @ W + b)
    out = jax.ops.segment_sum(messages, dst, num_segments=N_NODES)  # pool_to_receiver sum
    return out

if __name__ == "__main__":
    import jax
    _d = setup_inputs()
    print(jax.jit(kernel)(*tuple(_d.values())))

</pallas_src>

<mosaic_0001>
#map = affine_map<(d0, d1) -> (0, 0, 0)>
module attributes {stable_mosaic.version = 14 : i64} {
  func.func @_sc_edges(%arg0: i32, %arg1: i32, %arg2: memref<2x20000x64xbf16, #tpu.memory_space<hbm>>, %arg3: memref<16x250x80xi32, #tpu.memory_space<hbm>>, %arg4: memref<16x250x80xi32, #tpu.memory_space<hbm>>, %arg5: memref<10000x2x64xf32, #tpu.memory_space<hbm>>, %arg6: memref<250x80xi32, #tpu.memory_space<vmem>>, %arg7: memref<250x80xi32, #tpu.memory_space<vmem>>, %arg8: memref<80x64xbf16, #tpu.memory_space<vmem>>, %arg9: memref<80x64xbf16, #tpu.memory_space<vmem>>, %arg10: memref<80x64xbf16, #tpu.memory_space<vmem>>, %arg11: memref<80x64xbf16, #tpu.memory_space<vmem>>, %arg12: memref<80x64xf32, #tpu.memory_space<vmem>>, %arg13: memref<80x64xf32, #tpu.memory_space<vmem>>, %arg14: memref<10240x64xf32, #tpu.memory_space<vmem_shared>>, %arg15: memref<!tpu.dma_semaphore, #tpu.memory_space<semaphore_mem>>, %arg16: memref<!tpu.dma_semaphore, #tpu.memory_space<semaphore_mem>>, %arg17: memref<!tpu.dma_semaphore, #tpu.memory_space<semaphore_mem>>, %arg18: memref<!tpu.dma_semaphore, #tpu.memory_space<semaphore_mem>>, %arg19: memref<!tpu.dma_semaphore, #tpu.memory_space<semaphore_mem>>, %arg20: memref<!tpu.dma_semaphore, #tpu.memory_space<semaphore_mem>>) attributes {dimension_semantics = [#tpu.dimension_semantics<core_parallel>, #tpu.dimension_semantics<subcore_parallel>], iteration_bounds = array<i64: 2, 16>, scalar_prefetch = 0 : i64, scratch_operands = 15 : i64, tpu.core_type = #tpu.core_type<sc_vector_subcore>, window_params = [{transform_indices = #map}, {transform_indices = #map}, {transform_indices = #map}, {transform_indices = #map}]} {
    %dma_start3A = arith.constant 0 : i32
    %dma_start3A_0 = arith.constant 0 : i32
    %dma_start3A_1 = tpu.memref_slice %arg3[%arg1, %dma_start3A, %dma_start3A_0] : memref<16x250x80xi32, #tpu.memory_space<hbm>> -> memref<1x250x80xi32, #tpu.memory_space<hbm>>
    %dma_start3A_2 = tpu.memref_squeeze %dma_start3A_1 : memref<1x250x80xi32, #tpu.memory_space<hbm>> -> memref<250x80xi32, #tpu.memory_space<hbm>>
    %dma_start3A_3 = arith.constant 0 : i32
    %dma_start3A_4 = arith.constant 0 : i32
    %dma_start3A_5 = tpu.memref_slice %arg3[%arg1, %dma_start3A_3, %dma_start3A_4] : memref<16x250x80xi32, #tpu.memory_space<hbm>> -> memref<1x250x80xi32, #tpu.memory_space<hbm>>
    %dma_start3A_6 = tpu.memref_squeeze %dma_start3A_5 : memref<1x250x80xi32, #tpu.memory_space<hbm>> -> memref<250x80xi32, #tpu.memory_space<hbm>>
    tpu.enqueue_dma source(%dma_start3A_6 : memref<250x80xi32, #tpu.memory_space<hbm>>) target(%arg6 : memref<250x80xi32, #tpu.memory_space<vmem>>) target_semaphore(%arg15 : memref<!tpu.dma_semaphore, #tpu.memory_space<semaphore_mem>>)
    %dma_start3A_7 = arith.constant 0 : i32
    %dma_start3A_8 = arith.constant 0 : i32
    %dma_start3A_9 = tpu.memref_slice %arg4[%arg1, %dma_start3A_7, %dma_start3A_8] : memref<16x250x80xi32, #tpu.memory_space<hbm>> -> memref<1x250x80xi32, #tpu.memory_space<hbm>>
    %dma_start3A_10 = tpu.memref_squeeze %dma_start3A_9 : memref<1x250x80xi32, #tpu.memory_space<hbm>> -> memref<250x80xi32, #tpu.memory_space<hbm>>
    %dma_start3A_11 = arith.constant 0 : i32
    %dma_start3A_12 = arith.constant 0 : i32
    %dma_start3A_13 = tpu.memref_slice %arg4[%arg1, %dma_start3A_11, %dma_start3A_12] : memref<16x250x80xi32, #tpu.memory_space<hbm>> -> memref<1x250x80xi32, #tpu.memory_space<hbm>>
    %dma_start3A_14 = tpu.memref_squeeze %dma_start3A_13 : memref<1x250x80xi32, #tpu.memory_space<hbm>> -> memref<250x80xi32, #tpu.memory_space<hbm>>
    tpu.enqueue_dma source(%dma_start3A_14 : memref<250x80xi32, #tpu.memory_space<hbm>>) target(%arg7 : memref<250x80xi32, #tpu.memory_space<vmem>>) target_semaphore(%arg16 : memref<!tpu.dma_semaphore, #tpu.memory_space<semaphore_mem>>)
    %broadcast_in_dim3A = arith.constant 0.000000e+00 : f32
    %broadcast_in_dim3A_15 = vector.broadcast %broadcast_in_dim3A : f32 to vector<16xf32>
    %scan3A = arith.constant 0 : i32
    %scan3A_16 = arith.constant 80 : i32
    %scan3A_17 = arith.addi %scan3A, %scan3A_16 : i32
    %scan3A_18 = arith.constant 1 : i32
    scf.for %scan3A_127 = %scan3A to %scan3A_17 step %scan3A_18  : i32 {
      %mul3A_128 = arith.constant 1 : i32
      %mul3A_129 = arith.muli %scan3A_127, %mul3A_128 : i32
      %add3A = arith.constant 0 : i32
      %add3A_130 = arith.addi %add3A, %mul3A_129 : i32
      %swap3A = arith.index_cast %add3A_130 : i32 to index
      %swap3A_131 = arith.constant 0 : index
      %swap3A_132 = tpu.vector_load %arg12[%swap3A, %swap3A_131] {strides = array<i32>} : memref<80x64xf32, #tpu.memory_space<vmem>>, vector<16xf32>,
      tpu.vector_store %arg12[%swap3A, %swap3A_131], %broadcast_in_dim3A_15 {strides = array<i32>} : memref<80x64xf32, #tpu.memory_space<vmem>>, vector<16xf32>,
      %swap3A_133 = arith.index_cast %add3A_130 : i32 to index
      %swap3A_134 = arith.constant 0 : index
      %swap3A_135 = tpu.vector_load %arg13[%swap3A_133, %swap3A_134] {strides = array<i32>} : memref<80x64xf32, #tpu.memory_space<vmem>>, vector<16xf32>,
      tpu.vector_store %arg13[%swap3A_133, %swap3A_134], %broadcast_in_dim3A_15 {strides = array<i32>} : memref<80x64xf32, #tpu.memory_space<vmem>>, vector<16xf32>,
      %swap3A_136 = arith.index_cast %add3A_130 : i32 to index
      %swap3A_137 = arith.constant 16 : index
      %swap3A_138 = tpu.vector_load %arg12[%swap3A_136, %swap3A_137] {strides = array<i32>} : memref<80x64xf32, #tpu.memory_space<vmem>>, vector<16xf32>,
      tpu.vector_store %arg12[%swap3A_136, %swap3A_137], %broadcast_in_dim3A_15 {strides = array<i32>} : memref<80x64xf32, #tpu.memory_space<vmem>>, vector<16xf32>,
      %swap3A_139 = arith.index_cast %add3A_130 : i32 to index
      %swap3A_140 = arith.constant 16 : index
      %swap3A_141 = tpu.vector_load %arg13[%swap3A_139, %swap3A_140] {strides = array<i32>} : memref<80x64xf32, #tpu.memory_space<vmem>>, vector<16xf32>,
      tpu.vector_store %arg13[%swap3A_139, %swap3A_140], %broadcast_in_dim3A_15 {strides = array<i32>} : memref<80x64xf32, #tpu.memory_space<vmem>>, vector<16xf32>,
      %swap3A_142 = arith.index_cast %add3A_130 : i32 to index
      %swap3A_143 = arith.constant 32 : index
      %swap3A_144 = tpu.vector_load %arg12[%swap3A_142, %swap3A_143] {strides = array<i32>} : memref<80x64xf32, #tpu.memory_space<vmem>>, vector<16xf32>,
      tpu.vector_store %arg12[%swap3A_142, %swap3A_143], %broadcast_in_dim3A_15 {strides = array<i32>} : memref<80x64xf32, #tpu.memory_space<vmem>>, vector<16xf32>,
      %swap3A_145 = arith.index_cast %add3A_130 : i32 to index
      %swap3A_146 = arith.constant 32 : index
      %swap3A_147 = tpu.vector_load %arg13[%swap3A_145, %swap3A_146] {strides = array<i32>} : memref<80x64xf32, #tpu.memory_space<vmem>>, vector<16xf32>,
      tpu.vector_store %arg13[%swap3A_145, %swap3A_146], %broadcast_in_dim3A_15 {strides = array<i32>} : memref<80x64xf32, #tpu.memory_space<vmem>>, vector<16xf32>,
      %swap3A_148 = arith.index_cast %add3A_130 : i32 to index
      %swap3A_149 = arith.constant 48 : index
      %swap3A_150 = tpu.vector_load %arg12[%swap3A_148, %swap3A_149] {strides = array<i32>} : memref<80x64xf32, #tpu.memory_space<vmem>>, vector<16xf32>,
      tpu.vector_store %arg12[%swap3A_148, %swap3A_149], %broadcast_in_dim3A_15 {strides = array<i32>} : memref<80x64xf32, #tpu.memory_space<vmem>>, vector<16xf32>,
      %swap3A_151 = arith.index_cast %add3A_130 : i32 to index
      %swap3A_152 = arith.constant 48 : index
      %swap3A_153 = tpu.vector_load %arg13[%swap3A_151, %swap3A_152] {strides = array<i32>} : memref<80x64xf32, #tpu.memory_space<vmem>>, vector<16xf32>,
      tpu.vector_store %arg13[%swap3A_151, %swap3A_152], %broadcast_in_dim3A_15 {strides = array<i32>} : memref<80x64xf32, #tpu.memory_space<vmem>>, vector<16xf32>,
    }
    %scan3A_19 = arith.constant 80 : i32
    %mul3A = arith.constant 640 : i32
    %mul3A_20 = arith.muli %arg1, %mul3A : i32
    %scan3A_21 = arith.constant 0 : i32
    %scan3A_22 = arith.constant 8 : i32
    %scan3A_23 = arith.addi %scan3A_21, %scan3A_22 : i32
    %scan3A_24 = arith.constant 1 : i32
    scf.for %scan3A_127 = %scan3A_21 to %scan3A_23 step %scan3A_24  : i32 {
      %mul3A_128 = arith.constant 1 : i32
      %mul3A_129 = arith.muli %scan3A_127, %mul3A_128 : i32
      %add3A = arith.constant 0 : i32
      %add3A_130 = arith.addi %add3A, %mul3A_129 : i32
      %mul3A_131 = arith.constant 80 : i32
      %mul3A_132 = arith.muli %add3A_130, %mul3A_131 : i32
      %add3A_133 = arith.addi %mul3A_20, %mul3A_132 : i32
      "tpu.region"() ({
        %run_scoped3A = tpu.sem_alloc : memref<!tpu.dma_semaphore, #tpu.memory_space<semaphore_mem>>
        %dma_start3A_134 = arith.constant 0 : i32
        %dma_start3A_135 = tpu.memref_slice %arg14[%add3A_133, %dma_start3A_134] : memref<10240x64xf32, #tpu.memory_space<vmem_shared>> -> memref<80x64xf32, #tpu.memory_space<vmem_shared>>
        %dma_start3A_136 = arith.constant 0 : i32
        %dma_start3A_137 = tpu.memref_slice %arg14[%add3A_133, %dma_start3A_136] : memref<10240x64xf32, #tpu.memory_space<vmem_shared>> -> memref<80x64xf32, #tpu.memory_space<vmem_shared>>
        tpu.enqueue_dma source(%arg12 : memref<80x64xf32, #tpu.memory_space<vmem>>) target(%dma_start3A_137 : memref<80x64xf32, #tpu.memory_space<vmem_shared>>) target_semaphore(%run_scoped3A : memref<!tpu.dma_semaphore, #tpu.memory_space<semaphore_mem>>)
        %dma_wait3A_138 = arith.constant 0 : i32
        %dma_wait3A_139 = tpu.memref_slice %arg14[%add3A_133, %dma_wait3A_138] : memref<10240x64xf32, #tpu.memory_space<vmem_shared>> -> memref<80x64xf32, #tpu.memory_space<vmem_shared>>
        %dma_wait3A_140 = arith.constant 0 : i32
        %dma_wait3A_141 = tpu.memref_slice %arg14[%add3A_133, %dma_wait3A_140] : memref<10240x64xf32, #tpu.memory_space<vmem_shared>> -> memref<80x64xf32, #tpu.memory_space<vmem_shared>>
        tpu.wait_dma2 semaphore(%run_scoped3A : memref<!tpu.dma_semaphore, #tpu.memory_space<semaphore_mem>>) src(%arg12 : memref<80x64xf32, #tpu.memory_space<vmem>>) dst(%dma_wait3A_141 : memref<80x64xf32, #tpu.memory_space<vmem_shared>>)
        tpu.yield
      }) : () -> ()
    }
    %scan3A_25 = arith.constant 8 : i32
    %dma_wait3A = arith.constant 0 : i32
    %dma_wait3A_26 = arith.constant 0 : i32
    %dma_wait3A_27 = tpu.memref_slice %arg3[%arg1, %dma_wait3A, %dma_wait3A_26] : memref<16x250x80xi32, #tpu.memory_space<hbm>> -> memref<1x250x80xi32, #tpu.memory_space<hbm>>
    %dma_wait3A_28 = tpu.memref_squeeze %dma_wait3A_27 : memref<1x250x80xi32, #tpu.memory_space<hbm>> -> memref<250x80xi32, #tpu.memory_space<hbm>>
    %dma_wait3A_29 = arith.constant 0 : i32
    %dma_wait3A_30 = arith.constant 0 : i32
    %dma_wait3A_31 = tpu.memref_slice %arg3[%arg1, %dma_wait3A_29, %dma_wait3A_30] : memref<16x250x80xi32, #tpu.memory_space<hbm>> -> memref<1x250x80xi32, #tpu.memory_space<hbm>>
    %dma_wait3A_32 = tpu.memref_squeeze %dma_wait3A_31 : memref<1x250x80xi32, #tpu.memory_space<hbm>> -> memref<250x80xi32, #tpu.memory_space<hbm>>
    tpu.wait_dma2 semaphore(%arg15 : memref<!tpu.dma_semaphore, #tpu.memory_space<semaphore_mem>>) src(%dma_wait3A_32 : memref<250x80xi32, #tpu.memory_space<hbm>>) dst(%arg6 : memref<250x80xi32, #tpu.memory_space<vmem>>)
    %dma_wait3A_33 = arith.constant 0 : i32
    %dma_wait3A_34 = arith.constant 0 : i32
    %dma_wait3A_35 = tpu.memref_slice %arg4[%arg1, %dma_wait3A_33, %dma_wait3A_34] : memref<16x250x80xi32, #tpu.memory_space<hbm>> -> memref<1x250x80xi32, #tpu.memory_space<hbm>>
    %dma_wait3A_36 = tpu.memref_squeeze %dma_wait3A_35 : memref<1x250x80xi32, #tpu.memory_space<hbm>> -> memref<250x80xi32, #tpu.memory_space<hbm>>
    %dma_wait3A_37 = arith.constant 0 : i32
    %dma_wait3A_38 = arith.constant 0 : i32
    %dma_wait3A_39 = tpu.memref_slice %arg4[%arg1, %dma_wait3A_37, %dma_wait3A_38] : memref<16x250x80xi32, #tpu.memory_space<hbm>> -> memref<1x250x80xi32, #tpu.memory_space<hbm>>
    %dma_wait3A_40 = tpu.memref_squeeze %dma_wait3A_39 : memref<1x250x80xi32, #tpu.memory_space<hbm>> -> memref<250x80xi32, #tpu.memory_space<hbm>>
    tpu.wait_dma2 semaphore(%arg16 : memref<!tpu.dma_semaphore, #tpu.memory_space<semaphore_mem>>) src(%dma_wait3A_40 : memref<250x80xi32, #tpu.memory_space<hbm>>) dst(%arg7 : memref<250x80xi32, #tpu.memory_space<vmem>>)
    %barrier3A = arith.constant 0 : index
    tpu.barrier barrier_id(%barrier3A)
    %broadcast_in_dim3A_41 = arith.constant -65536 : i32
    %broadcast_in_dim3A_42 = vector.broadcast %broadcast_in_dim3A_41 : i32 to vector<16xi32>
    %dma_start3A_43 = arith.constant 0 : i32
    %dma_start3A_44 = arith.constant 0 : i32
    %dma_start3A_45 = tpu.memref_slice %arg6[%dma_start3A_43, %dma_start3A_44] : memref<250x80xi32, #tpu.memory_space<vmem>> -> memref<1x80xi32, #tpu.memory_space<vmem>>
    %dma_start3A_46 = tpu.memref_squeeze %dma_start3A_45 : memref<1x80xi32, #tpu.memory_space<vmem>> -> memref<80xi32, #tpu.memory_space<vmem>>
    %dma_start3A_47 = arith.constant 0 : i32
    %dma_start3A_48 = arith.constant 0 : i32
    %dma_start3A_49 = tpu.memref_slice %arg2[%arg0, %dma_start3A_47, %dma_start3A_48] : memref<2x20000x64xbf16, #tpu.memory_space<hbm>> -> memref<1x20000x64xbf16, #tpu.memory_space<hbm>>
    %dma_start3A_50 = tpu.memref_squeeze %dma_start3A_49 : memref<1x20000x64xbf16, #tpu.memory_space<hbm>> -> memref<20000x64xbf16, #tpu.memory_space<hbm>>
    %dma_start3A_51 = arith.constant 0 : i32
    %dma_start3A_52 = arith.constant 0 : i32
    %dma_start3A_53 = tpu.memref_slice %dma_start3A_50[%dma_start3A_51, %dma_start3A_52] : memref<20000x64xbf16, #tpu.memory_space<hbm>> -> memref<20000x64xbf16, #tpu.memory_space<hbm>>
    tpu.enqueue_indirect_dma source(%dma_start3A_53 : memref<20000x64xbf16, #tpu.memory_space<hbm>>) target(%arg8 : memref<80x64xbf16, #tpu.memory_space<vmem>>) offsets(%dma_start3A_46 : memref<80xi32, #tpu.memory_space<vmem>>) semaphore(%arg15 : memref<!tpu.dma_semaphore, #tpu.memory_space<semaphore_mem>>)
    %dma_start3A_54 = arith.constant 0 : i32
    %dma_start3A_55 = arith.constant 0 : i32
    %dma_start3A_56 = tpu.memref_slice %arg7[%dma_start3A_54, %dma_start3A_55] : memref<250x80xi32, #tpu.memory_space<vmem>> -> memref<1x80xi32, #tpu.memory_space<vmem>>
    %dma_start3A_57 = tpu.memref_squeeze %dma_start3A_56 : memref<1x80xi32, #tpu.memory_space<vmem>> -> memref<80xi32, #tpu.memory_space<vmem>>
    %dma_start3A_58 = arith.constant 0 : i32
    %dma_start3A_59 = arith.constant 0 : i32
    %dma_start3A_60 = tpu.memref_slice %arg2[%arg0, %dma_start3A_58, %dma_start3A_59] : memref<2x20000x64xbf16, #tpu.memory_space<hbm>> -> memref<1x20000x64xbf16, #tpu.memory_space<hbm>>
    %dma_start3A_61 = tpu.memref_squeeze %dma_start3A_60 : memref<1x20000x64xbf16, #tpu.memory_space<hbm>> -> memref<20000x64xbf16, #tpu.memory_space<hbm>>
    %dma_start3A_62 = arith.constant 0 : i32
    %dma_start3A_63 = arith.constant 0 : i32
    %dma_start3A_64 = tpu.memref_slice %dma_start3A_61[%dma_start3A_62, %dma_start3A_63] : memref<20000x64xbf16, #tpu.memory_space<hbm>> -> memref<20000x64xbf16, #tpu.memory_space<hbm>>
    tpu.enqueue_indirect_dma source(%dma_start3A_64 : memref<20000x64xbf16, #tpu.memory_space<hbm>>) target(%arg9 : memref<80x64xbf16, #tpu.memory_space<vmem>>) offsets(%dma_start3A_57 : memref<80xi32, #tpu.memory_space<vmem>>) semaphore(%arg16 : memref<!tpu.dma_semaphore, #tpu.memory_space<semaphore_mem>>)
    %dma_start3A_65 = arith.constant 0 : i32
    %dma_start3A_66 = arith.constant 0 : i32
    %dma_start3A_67 = tpu.memref_slice %arg7[%dma_start3A_65, %dma_start3A_66] : memref<250x80xi32, #tpu.memory_space<vmem>> -> memref<1x80xi32, #tpu.memory_space<vmem>>
    %dma_start3A_68 = tpu.memref_squeeze %dma_start3A_67 : memref<1x80xi32, #tpu.memory_space<vmem>> -> memref<80xi32, #tpu.memory_space<vmem>>
    %dma_start3A_69 = arith.constant 0 : i32
    %dma_start3A_70 = arith.constant 0 : i32
    %dma_start3A_71 = tpu.memref_slice %arg14[%dma_start3A_69, %dma_start3A_70] : memref<10240x64xf32, #tpu.memory_space<vmem_shared>> -> memref<10240x64xf32, #tpu.memory_space<vmem_shared>>
    tpu.enqueue_indirect_dma source(%arg12 : memref<80x64xf32, #tpu.memory_space<vmem>>) target(%dma_start3A_71 : memref<10240x64xf32, #tpu.memory_space<vmem_shared>>) offsets(%dma_start3A_68 : memref<80xi32, #tpu.memory_space<vmem>>) semaphore(%arg19 : memref<!tpu.dma_semaphore, #tpu.memory_space<semaphore_mem>>) {add = true}
    %dma_start3A_72 = arith.constant 0 : i32
    %dma_start3A_73 = arith.constant 0 : i32
    %dma_start3A_74 = tpu.memref_slice %arg7[%dma_start3A_72, %dma_start3A_73] : memref<250x80xi32, #tpu.memory_space<vmem>> -> memref<1x80xi32, #tpu.memory_space<vmem>>
    %dma_start3A_75 = tpu.memref_squeeze %dma_start3A_74 : memref<1x80xi32, #tpu.memory_space<vmem>> -> memref<80xi32, #tpu.memory_space<vmem>>
    %dma_start3A_76 = arith.constant 0 : i32
    %dma_start3A_77 = arith.constant 0 : i32
    %dma_start3A_78 = tpu.memref_slice %arg14[%dma_start3A_76, %dma_start3A_77] : memref<10240x64xf32, #tpu.memory_space<vmem_shared>> -> memref<10240x64xf32, #tpu.memory_space<vmem_shared>>
    tpu.enqueue_indirect_dma source(%arg13 : memref<80x64xf32, #tpu.memory_space<vmem>>) target(%dma_start3A_78 : memref<10240x64xf32, #tpu.memory_space<vmem_shared>>) offsets(%dma_start3A_75 : memref<80xi32, #tpu.memory_space<vmem>>) semaphore(%arg20 : memref<!tpu.dma_semaphore, #tpu.memory_space<semaphore_mem>>) {add = true}
    %scan3A_79 = arith.constant 0 : i32
    %scan3A_80 = arith.constant 125 : i32
    %scan3A_81 = arith.addi %scan3A_79, %scan3A_80 : i32
    %scan3A_82 = arith.constant 1 : i32
    scf.for %scan3A_127 = %scan3A_79 to %scan3A_81 step %scan3A_82  : i32 {
      %mul3A_128 = arith.constant 1 : i32
      %mul3A_129 = arith.muli %scan3A_127, %mul3A_128 : i32
      %add3A = arith.constant 0 : i32
      %add3A_130 = arith.addi %add3A, %mul3A_129 : i32
      %mul3A_131 = arith.constant 2 : i32
      %mul3A_132 = arith.muli %mul3A_131, %add3A_130 : i32
      %add3A_133 = arith.constant 1 : i32
      %add3A_134 = arith.addi %mul3A_132, %add3A_133 : i32
      %add3A_135 = arith.constant 2 : i32
      %add3A_136 = arith.addi %mul3A_132, %add3A_135 : i32
      %min3A = arith.constant 249 : i32
      %min3A_137 = arith.minsi %add3A_136, %min3A : i32
      %dma_start3A_138 = arith.constant 0 : i32
      %dma_start3A_139 = tpu.memref_slice %arg6[%add3A_134, %dma_start3A_138] : memref<250x80xi32, #tpu.memory_space<vmem>> -> memref<1x80xi32, #tpu.memory_space<vmem>>
      %dma_start3A_140 = tpu.memref_squeeze %dma_start3A_139 : memref<1x80xi32, #tpu.memory_space<vmem>> -> memref<80xi32, #tpu.memory_space<vmem>>
      %dma_start3A_141 = arith.constant 0 : i32
      %dma_start3A_142 = arith.constant 0 : i32
      %dma_start3A_143 = tpu.memref_slice %arg2[%arg0, %dma_start3A_141, %dma_start3A_142] : memref<2x20000x64xbf16, #tpu.memory_space<hbm>> -> memref<1x20000x64xbf16, #tpu.memory_space<hbm>>
      %dma_start3A_144 = tpu.memref_squeeze %dma_start3A_143 : memref<1x20000x64xbf16, #tpu.memory_space<hbm>> -> memref<20000x64xbf16, #tpu.memory_space<hbm>>
      %dma_start3A_145 = arith.constant 0 : i32
      %dma_start3A_146 = arith.constant 0 : i32
      %dma_start3A_147 = tpu.memref_slice %dma_start3A_144[%dma_start3A_145, %dma_start3A_146] : memref<20000x64xbf16, #tpu.memory_space<hbm>> -> memref<20000x64xbf16, #tpu.memory_space<hbm>>
      tpu.enqueue_indirect_dma source(%dma_start3A_147 : memref<20000x64xbf16, #tpu.memory_space<hbm>>) target(%arg10 : memref<80x64xbf16, #tpu.memory_space<vmem>>) offsets(%dma_start3A_140 : memref<80xi32, #tpu.memory_space<vmem>>) semaphore(%arg17 : memref<!tpu.dma_semaphore, #tpu.memory_space<semaphore_mem>>)
      %dma_start3A_148 = arith.constant 0 : i32
      %dma_start3A_149 = tpu.memref_slice %arg7[%add3A_134, %dma_start3A_148] : memref<250x80xi32, #tpu.memory_space<vmem>> -> memref<1x80xi32, #tpu.memory_space<vmem>>
      %dma_start3A_150 = tpu.memref_squeeze %dma_start3A_149 : memref<1x80xi32, #tpu.memory_space<vmem>> -> memref<80xi32, #tpu.memory_space<vmem>>
      %dma_start3A_151 = arith.constant 0 : i32
      %dma_start3A_152 = arith.constant 0 : i32
      %dma_start3A_153 = tpu.memref_slice %arg2[%arg0, %dma_start3A_151, %dma_start3A_152] : memref<2x20000x64xbf16, #tpu.memory_space<hbm>> -> memref<1x20000x64xbf16, #tpu.memory_space<hbm>>
      %dma_start3A_154 = tpu.memref_squeeze %dma_start3A_153 : memref<1x20000x64xbf16, #tpu.memory_space<hbm>> -> memref<20000x64xbf16, #tpu.memory_space<hbm>>
      %dma_start3A_155 = arith.constant 0 : i32
      %dma_start3A_156 = arith.constant 0 : i32
      %dma_start3A_157 = tpu.memref_slice %dma_start3A_154[%dma_start3A_155, %dma_start3A_156] : memref<20000x64xbf16, #tpu.memory_space<hbm>> -> memref<20000x64xbf16, #tpu.memory_space<hbm>>
      tpu.enqueue_indirect_dma source(%dma_start3A_157 : memref<20000x64xbf16, #tpu.memory_space<hbm>>) target(%arg11 : memref<80x64xbf16, #tpu.memory_space<vmem>>) offsets(%dma_start3A_150 : memref<80xi32, #tpu.memory_space<vmem>>) semaphore(%arg18 : memref<!tpu.dma_semaphore, #tpu.memory_space<semaphore_mem>>)
      %dma_wait3A_158 = arith.constant 0 : i32
      %dma_wait3A_159 = tpu.memref_slice %arg6[%mul3A_132, %dma_wait3A_158] : memref<250x80xi32, #tpu.memory_space<vmem>> -> memref<1x80xi32, #tpu.memory_space<vmem>>
      %dma_wait3A_160 = tpu.memref_squeeze %dma_wait3A_159 : memref<1x80xi32, #tpu.memory_space<vmem>> -> memref<80xi32, #tpu.memory_space<vmem>>
      %dma_wait3A_161 = arith.constant 0 : i32
      %dma_wait3A_162 = arith.constant 0 : i32
      %dma_wait3A_163 = tpu.memref_slice %arg2[%arg0, %dma_wait3A_161, %dma_wait3A_162] : memref<2x20000x64xbf16, #tpu.memory_space<hbm>> -> memref<1x20000x64xbf16, #tpu.memory_space<hbm>>
      %dma_wait3A_164 = tpu.memref_squeeze %dma_wait3A_163 : memref<1x20000x64xbf16, #tpu.memory_space<hbm>> -> memref<20000x64xbf16, #tpu.memory_space<hbm>>
      %dma_wait3A_165 = arith.constant 0 : i32
      %dma_wait3A_166 = arith.constant 0 : i32
      %dma_wait3A_167 = tpu.memref_slice %dma_wait3A_164[%dma_wait3A_165, %dma_wait3A_166] : memref<20000x64xbf16, #tpu.memory_space<hbm>> -> memref<20000x64xbf16, #tpu.memory_space<hbm>>
      tpu.wait_indirect_dma semaphore(%arg15 : memref<!tpu.dma_semaphore, #tpu.memory_space<semaphore_mem>>) src(%dma_wait3A_167 : memref<20000x64xbf16, #tpu.memory_space<hbm>>) dst(%arg8 : memref<80x64xbf16, #tpu.memory_space<vmem>>)
      %dma_wait3A_168 = arith.constant 0 : i32
      %dma_wait3A_169 = tpu.memref_slice %arg7[%mul3A_132, %dma_wait3A_168] : memref<250x80xi32, #tpu.memory_space<vmem>> -> memref<1x80xi32, #tpu.memory_space<vmem>>
      %dma_wait3A_170 = tpu.memref_squeeze %dma_wait3A_169 : memref<1x80xi32, #tpu.memory_space<vmem>> -> memref<80xi32, #tpu.memory_space<vmem>>
      %dma_wait3A_171 = arith.constant 0 : i32
      %dma_wait3A_172 = arith.constant 0 : i32
      %dma_wait3A_173 = tpu.memref_slice %arg2[%arg0, %dma_wait3A_171, %dma_wait3A_172] : memref<2x20000x64xbf16, #tpu.memory_space<hbm>> -> memref<1x20000x64xbf16, #tpu.memory_space<hbm>>
      %dma_wait3A_174 = tpu.memref_squeeze %dma_wait3A_173 : memref<1x20000x64xbf16, #tpu.memory_space<hbm>> -> memref<20000x64xbf16, #tpu.memory_space<hbm>>
      %dma_wait3A_175 = arith.constant 0 : i32
      %dma_wait3A_176 = arith.constant 0 : i32
      %dma_wait3A_177 = tpu.memref_slice %dma_wait3A_174[%dma_wait3A_175, %dma_wait3A_176] : memref<20000x64xbf16, #tpu.memory_space<hbm>> -> memref<20000x64xbf16, #tpu.memory_space<hbm>>
      tpu.wait_indirect_dma semaphore(%arg16 : memref<!tpu.dma_semaphore, #tpu.memory_space<semaphore_mem>>) src(%dma_wait3A_177 : memref<20000x64xbf16, #tpu.memory_space<hbm>>) dst(%arg9 : memref<80x64xbf16, #tpu.memory_space<vmem>>)
      %dma_wait3A_178 = arith.constant 0 : i32
      %dma_wait3A_179 = tpu.memref_slice %arg7[%mul3A_132, %dma_wait3A_178] : memref<250x80xi32, #tpu.memory_space<vmem>> -> memref<1x80xi32, #tpu.memory_space<vmem>>
      %dma_wait3A_180 = tpu.memref_squeeze %dma_wait3A_179 : memref<1x80xi32, #tpu.memory_space<vmem>> -> memref<80xi32, #tpu.memory_space<vmem>>
      %dma_wait3A_181 = arith.constant 0 : i32
      %dma_wait3A_182 = arith.constant 0 : i32
      %dma_wait3A_183 = tpu.memref_slice %arg14[%dma_wait3A_181, %dma_wait3A_182] : memref<10240x64xf32, #tpu.memory_space<vmem_shared>> -> memref<10240x64xf32, #tpu.memory_space<vmem_shared>>
      tpu.wait_indirect_dma semaphore(%arg19 : memref<!tpu.dma_semaphore, #tpu.memory_space<semaphore_mem>>) src(%arg12 : memref<80x64xf32, #tpu.memory_space<vmem>>) dst(%dma_wait3A_183 : memref<10240x64xf32, #tpu.memory_space<vmem_shared>>)
      %scan3A_184 = arith.constant 0 : i32
      %scan3A_185 = arith.constant 80 : i32
      %scan3A_186 = arith.addi %scan3A_184, %scan3A_185 : i32
      %scan3A_187 = arith.constant 4 : i32
      scf.for %scan3A_252 = %scan3A_184 to %scan3A_186 step %scan3A_187  : i32 {
        %mul3A_253 = arith.constant 1 : i32
        %mul3A_254 = arith.muli %scan3A_252, %mul3A_253 : i32
        %add3A_255 = arith.constant 0 : i32
        %add3A_256 = arith.addi %add3A_255, %mul3A_254 : i32
        %get3A = arith.index_cast %add3A_256 : i32 to index
        %get3A_257 = arith.constant 0 : index
        %get3A_258 = tpu.vector_load %arg8[%get3A, %get3A_257] {strides = array<i32>} : memref<80x64xbf16, #tpu.memory_space<vmem>>, vector<32xbf16>,
        %bitcast3A = vector.bitcast %get3A_258 : vector<32xbf16> to vector<16xi32>
        %get3A_259 = arith.index_cast %add3A_256 : i32 to index
        %get3A_260 = arith.constant 0 : index
        %get3A_261 = tpu.vector_load %arg9[%get3A_259, %get3A_260] {strides = array<i32>} : memref<80x64xbf16, #tpu.memory_space<vmem>>, vector<32xbf16>,
        %bitcast3A_262 = vector.bitcast %get3A_261 : vector<32xbf16> to vector<16xi32>
        %shift_left3A = arith.constant 16 : i32
        %shift_left3A_263 = vector.broadcast %shift_left3A : i32 to vector<16xi32>
        %shift_left3A_264 = arith.shli %bitcast3A, %shift_left3A_263 : vector<16xi32>
        %bitcast3A_265 = vector.bitcast %shift_left3A_264 : vector<16xi32> to vector<16xf32>
        %shift_left3A_266 = arith.constant 16 : i32
        %shift_left3A_267 = vector.broadcast %shift_left3A_266 : i32 to vector<16xi32>
        %shift_left3A_268 = arith.shli %bitcast3A_262, %shift_left3A_267 : vector<16xi32>
        %bitcast3A_269 = vector.bitcast %shift_left3A_268 : vector<16xi32> to vector<16xf32>
        %and3A = arith.andi %bitcast3A, %broadcast_in_dim3A_42 : vector<16xi32>
        %bitcast3A_270 = vector.bitcast %and3A : vector<16xi32> to vector<16xf32>
        %and3A_271 = arith.andi %bitcast3A_262, %broadcast_in_dim3A_42 : vector<16xi32>
        %bitcast3A_272 = vector.bitcast %and3A_271 : vector<16xi32> to vector<16xf32>
        %add3A_273 = arith.addf %bitcast3A_265, %bitcast3A_269 : vector<16xf32>
        %max3A = arith.constant 0.000000e+00 : f32
        %max3A_274 = vector.broadcast %max3A : f32 to vector<16xf32>
        %max3A_275 = arith.maximumf %add3A_273, %max3A_274 : vector<16xf32>
        %swap3A = arith.index_cast %add3A_256 : i32 to index
        %swap3A_276 = arith.constant 0 : index
        %swap3A_277 = tpu.vector_load %arg12[%swap3A, %swap3A_276] {strides = array<i32>} : memref<80x64xf32, #tpu.memory_space<vmem>>, vector<16xf32>,
        tpu.vector_store %arg12[%swap3A, %swap3A_276], %max3A_275 {strides = array<i32>} : memref<80x64xf32, #tpu.memory_space<vmem>>, vector<16xf32>,
        %add3A_278 = arith.addf %bitcast3A_270, %bitcast3A_272 : vector<16xf32>
        %max3A_279 = arith.constant 0.000000e+00 : f32
        %max3A_280 = vector.broadcast %max3A_279 : f32 to vector<16xf32>
        %max3A_281 = arith.maximumf %add3A_278, %max3A_280 : vector<16xf32>
        %swap3A_282 = arith.index_cast %add3A_256 : i32 to index
        %swap3A_283 = arith.constant 16 : index
        %swap3A_284 = tpu.vector_load %arg12[%swap3A_282, %swap3A_283] {strides = array<i32>} : memref<80x64xf32, #tpu.memory_space<vmem>>, vector<16xf32>,
        tpu.vector_store %arg12[%swap3A_282, %swap3A_283], %max3A_281 {strides = array<i32>} : memref<80x64xf32, #tpu.memory_space<vmem>>, vector<16xf32>,
        %get3A_285 = arith.index_cast %add3A_256 : i32 to index
        %get3A_286 = arith.constant 32 : index
        %get3A_287 = tpu.vector_load %arg8[%get3A_285, %get3A_286] {strides = array<i32>} : memref<80x64xbf16, #tpu.memory_space<vmem>>, vector<32xbf16>,
        %bitcast3A_288 = vector.bitcast %get3A_287 : vector<32xbf16> to vector<16xi32>
        %get3A_289 = arith.index_cast %add3A_256 : i32 to index
        %get3A_290 = arith.constant 32 : index
        %get3A_291 = tpu.vector_load %arg9[%get3A_289, %get3A_290] {strides = array<i32>} : memref<80x64xbf16, #tpu.memory_space<vmem>>, vector<32xbf16>,
        %bitcast3A_292 = vector.bitcast %get3A_291 : vector<32xbf16> to vector<16xi32>
        %shift_left3A_293 = arith.constant 16 : i32
        %shift_left3A_294 = vector.broadcast %shift_left3A_293 : i32 to vector<16xi32>
        %shift_left3A_295 = arith.shli %bitcast3A_288, %shift_left3A_294 : vector<16xi32>
        %bitcast3A_296 = vector.bitcast %shift_left3A_295 : vector<16xi32> to vector<16xf32>
        %shift_left3A_297 = arith.constant 16 : i32
        %shift_left3A_298 = vector.broadcast %shift_left3A_297 : i32 to vector<16xi32>
        %shift_left3A_299 = arith.shli %bitcast3A_292, %shift_left3A_298 : vector<16xi32>
        %bitcast3A_300 = vector.bitcast %shift_left3A_299 : vector<16xi32> to vector<16xf32>
        %and3A_301 = arith.andi %bitcast3A_288, %broadcast_in_dim3A_42 : vector<16xi32>
        %bitcast3A_302 = vector.bitcast %and3A_301 : vector<16xi32> to vector<16xf32>
        %and3A_303 = arith.andi %bitcast3A_292, %broadcast_in_dim3A_42 : vector<16xi32>
        %bitcast3A_304 = vector.bitcast %and3A_303 : vector<16xi32> to vector<16xf32>
        %add3A_305 = arith.addf %bitcast3A_296, %bitcast3A_300 : vector<16xf32>
        %max3A_306 = arith.constant 0.000000e+00 : f32
        %max3A_307 = vector.broadcast %max3A_306 : f32 to vector<16xf32>
        %max3A_308 = arith.maximumf %add3A_305, %max3A_307 : vector<16xf32>
        %swap3A_309 = arith.index_cast %add3A_256 : i32 to index
        %swap3A_310 = arith.constant 32 : index
        %swap3A_311 = tpu.vector_load %arg12[%swap3A_309, %swap3A_310] {strides = array<i32>} : memref<80x64xf32, #tpu.memory_space<vmem>>, vector<16xf32>,
        tpu.vector_store %arg12[%swap3A_309, %swap3A_310], %max3A_308 {strides = array<i32>} : memref<80x64xf32, #tpu.memory_space<vmem>>, vector<16xf32>,
        %add3A_312 = arith.addf %bitcast3A_302, %bitcast3A_304 : vector<16xf32>
        %max3A_313 = arith.constant 0.000000e+00 : f32
        %max3A_314 = vector.broadcast %max3A_313 : f32 to vector<16xf32>
        %max3A_315 = arith.maximumf %add3A_312, %max3A_314 : vector<16xf32>
        %swap3A_316 = arith.index_cast %add3A_256 : i32 to index
        %swap3A_317 = arith.constant 48 : index
        %swap3A_318 = tpu.vector_load %arg12[%swap3A_316, %swap3A_317] {strides = array<i32>} : memref<80x64xf32, #tpu.memory_space<vmem>>, vector<16xf32>,
        tpu.vector_store %arg12[%swap3A_316, %swap3A_317], %max3A_315 {strides = array<i32>} : memref<80x64xf32, #tpu.memory_space<vmem>>, vector<16xf32>,
        %scan3A_319 = arith.constant 1 : i32
        %scan3A_320 = arith.addi %scan3A_252, %scan3A_319 : i32
        %mul3A_321 = arith.constant 1 : i32
        %mul3A_322 = arith.muli %scan3A_320, %mul3A_321 : i32
        %add3A_323 = arith.constant 0 : i32
        %add3A_324 = arith.addi %add3A_323, %mul3A_322 : i32
        %get3A_325 = arith.index_cast %add3A_324 : i32 to index
        %get3A_326 = arith.constant 0 : index
        %get3A_327 = tpu.vector_load %arg8[%get3A_325, %get3A_326] {strides = array<i32>} : memref<80x64xbf16, #tpu.memory_space<vmem>>, vector<32xbf16>,
        %bitcast3A_328 = vector.bitcast %get3A_327 : vector<32xbf16> to vector<16xi32>
        %get3A_329 = arith.index_cast %add3A_324 : i32 to index
        %get3A_330 = arith.constant 0 : index
        %get3A_331 = tpu.vector_load %arg9[%get3A_329, %get3A_330] {strides = array<i32>} : memref<80x64xbf16, #tpu.memory_space<vmem>>, vector<32xbf16>,
        %bitcast3A_332 = vector.bitcast %get3A_331 : vector<32xbf16> to vector<16xi32>
        %shift_left3A_333 = arith.constant 16 : i32
        %shift_left3A_334 = vector.broadcast %shift_left3A_333 : i32 to vector<16xi32>
        %shift_left3A_335 = arith.shli %bitcast3A_328, %shift_left3A_334 : vector<16xi32>
        %bitcast3A_336 = vector.bitcast %shift_left3A_335 : vector<16xi32> to vector<16xf32>
        %shift_left3A_337 = arith.constant 16 : i32
        %shift_left3A_338 = vector.broadcast %shift_left3A_337 : i32 to vector<16xi32>
        %shift_left3A_339 = arith.shli %bitcast3A_332, %shift_left3A_338 : vector<16xi32>
        %bitcast3A_340 = vector.bitcast %shift_left3A_339 : vector<16xi32> to vector<16xf32>
        %and3A_341 = arith.andi %bitcast3A_328, %broadcast_in_dim3A_42 : vector<16xi32>
        %bitcast3A_342 = vector.bitcast %and3A_341 : vector<16xi32> to vector<16xf32>
        %and3A_343 = arith.andi %bitcast3A_332, %broadcast_in_dim3A_42 : vector<16xi32>
        %bitcast3A_344 = vector.bitcast %and3A_343 : vector<16xi32> to vector<16xf32>
        %add3A_345 = arith.addf %bitcast3A_336, %bitcast3A_340 : vector<16xf32>
        %max3A_346 = arith.constant 0.000000e+00 : f32
        %max3A_347 = vector.broadcast %max3A_346 : f32 to vector<16xf32>
        %max3A_348 = arith.maximumf %add3A_345, %max3A_347 : vector<16xf32>
        %swap3A_349 = arith.index_cast %add3A_324 : i32 to index
        %swap3A_350 = arith.constant 0 : index
        %swap3A_351 = tpu.vector_load %arg12[%swap3A_349, %swap3A_350] {strides = array<i32>} : memref<80x64xf32, #tpu.memory_space<vmem>>, vector<16xf32>,
        tpu.vector_store %arg12[%swap3A_349, %swap3A_350], %max3A_348 {strides = array<i32>} : memref<80x64xf32, #tpu.memory_space<vmem>>, vector<16xf32>,
        %add3A_352 = arith.addf %bitcast3A_342, %bitcast3A_344 : vector<16xf32>
        %max3A_353 = arith.constant 0.000000e+00 : f32
        %max3A_354 = vector.broadcast %max3A_353 : f32 to vector<16xf32>
        %max3A_355 = arith.maximumf %add3A_352, %max3A_354 : vector<16xf32>
        %swap3A_356 = arith.index_cast %add3A_324 : i32 to index
        %swap3A_357 = arith.constant 16 : index
        %swap3A_358 = tpu.vector_load %arg12[%swap3A_356, %swap3A_357] {strides = array<i32>} : memref<80x64xf32, #tpu.memory_space<vmem>>, vector<16xf32>,
        tpu.vector_store %arg12[%swap3A_356, %swap3A_357], %max3A_355 {strides = array<i32>} : memref<80x64xf32, #tpu.memory_space<vmem>>, vector<16xf32>,
        %get3A_359 = arith.index_cast %add3A_324 : i32 to index
        %get3A_360 = arith.constant 32 : index
        %get3A_361 = tpu.vector_load %arg8[%get3A_359, %get3A_360] {strides = array<i32>} : memref<80x64xbf16, #tpu.memory_space<vmem>>, vector<32xbf16>,
        %bitcast3A_362 = vector.bitcast %get3A_361 : vector<32xbf16> to vector<16xi32>
        %get3A_363 = arith.index_cast %add3A_324 : i32 to index
        %get3A_364 = arith.constant 32 : index
        %get3A_365 = tpu.vector_load %arg9[%get3A_363, %get3A_364] {strides = array<i32>} : memref<80x64xbf16, #tpu.memory_space<vmem>>, vector<32xbf16>,
        %bitcast3A_366 = vector.bitcast %get3A_365 : vector<32xbf16> to vector<16xi32>
        %shift_left3A_367 = arith.constant 16 : i32
        %shift_left3A_368 = vector.broadcast %shift_left3A_367 : i32 to vector<16xi32>
        %shift_left3A_369 = arith.shli %bitcast3A_362, %shift_left3A_368 : vector<16xi32>
        %bitcast3A_370 = vector.bitcast %shift_left3A_369 : vector<16xi32> to vector<16xf32>
        %shift_left3A_371 = arith.constant 16 : i32
        %shift_left3A_372 = vector.broadcast %shift_left3A_371 : i32 to vector<16xi32>
        %shift_left3A_373 = arith.shli %bitcast3A_366, %shift_left3A_372 : vector<16xi32>
        %bitcast3A_374 = vector.bitcast %shift_left3A_373 : vector<16xi32> to vector<16xf32>
        %and3A_375 = arith.andi %bitcast3A_362, %broadcast_in_dim3A_42 : vector<16xi32>
        %bitcast3A_376 = vector.bitcast %and3A_375 : vector<16xi32> to vector<16xf32>
        %and3A_377 = arith.andi %bitcast3A_366, %broadcast_in_dim3A_42 : vector<16xi32>
        %bitcast3A_378 = vector.bitcast %and3A_377 : vector<16xi32> to vector<16xf32>
        %add3A_379 = arith.addf %bitcast3A_370, %bitcast3A_374 : vector<16xf32>
        %max3A_380 = arith.constant 0.000000e+00 : f32
        %max3A_381 = vector.broadcast %max3A_380 : f32 to vector<16xf32>
        %max3A_382 = arith.maximumf %add3A_379, %max3A_381 : vector<16xf32>
        %swap3A_383 = arith.index_cast %add3A_324 : i32 to index
        %swap3A_384 = arith.constant 32 : index
        %swap3A_385 = tpu.vector_load %arg12[%swap3A_383, %swap3A_384] {strides = array<i32>} : memref<80x64xf32, #tpu.memory_space<vmem>>, vector<16xf32>,
        tpu.vector_store %arg12[%swap3A_383, %swap3A_384], %max3A_382 {strides = array<i32>} : memref<80x64xf32, #tpu.memory_space<vmem>>, vector<16xf32>,
        %add3A_386 = arith.addf %bitcast3A_376, %bitcast3A_378 : vector<16xf32>
        %max3A_387 = arith.constant 0.000000e+00 : f32
        %max3A_388 = vector.broadcast %max3A_387 : f32 to vector<16xf32>
        %max3A_389 = arith.maximumf %add3A_386, %max3A_388 : vector<16xf32>
        %swap3A_390 = arith.index_cast %add3A_324 : i32 to index
        %swap3A_391 = arith.constant 48 : index
        %swap3A_392 = tpu.vector_load %arg12[%swap3A_390, %swap3A_391] {strides = array<i32>} : memref<80x64xf32, #tpu.memory_space<vmem>>, vector<16xf32>,
        tpu.vector_store %arg12[%swap3A_390, %swap3A_391], %max3A_389 {strides = array<i32>} : memref<80x64xf32, #tpu.memory_space<vmem>>, vector<16xf32>,
        %scan3A_393 = arith.constant 2 : i32
        %scan3A_394 = arith.addi %scan3A_252, %scan3A_393 : i32
        %mul3A_395 = arith.constant 1 : i32
        %mul3A_396 = arith.muli %scan3A_394, %mul3A_395 : i32
        %add3A_397 = arith.constant 0 : i32
        %add3A_398 = arith.addi %add3A_397, %mul3A_396 : i32
        %get3A_399 = arith.index_cast %add3A_398 : i32 to index
        %get3A_400 = arith.constant 0 : index
        %get3A_401 = tpu.vector_load %arg8[%get3A_399, %get3A_400] {strides = array<i32>} : memref<80x64xbf16, #tpu.memory_space<vmem>>, vector<32xbf16>,
        %bitcast3A_402 = vector.bitcast %get3A_401 : vector<32xbf16> to vector<16xi32>
        %get3A_403 = arith.index_cast %add3A_398 : i32 to index
        %get3A_404 = arith.constant 0 : index
        %get3A_405 = tpu.vector_load %arg9[%get3A_403, %get3A_404] {strides = array<i32>} : memref<80x64xbf16, #tpu.memory_space<vmem>>, vector<32xbf16>,
        %bitcast3A_406 = vector.bitcast %get3A_405 : vector<32xbf16> to vector<16xi32>
        %shift_left3A_407 = arith.constant 16 : i32
        %shift_left3A_408 = vector.broadcast %shift_left3A_407 : i32 to vector<16xi32>
        %shift_left3A_409 = arith.shli %bitcast3A_402, %shift_left3A_408 : vector<16xi32>
        %bitcast3A_410 = vector.bitcast %shift_left3A_409 : vector<16xi32> to vector<16xf32>
        %shift_left3A_411 = arith.constant 16 : i32
        %shift_left3A_412 = vector.broadcast %shift_left3A_411 : i32 to vector<16xi32>
        %shift_left3A_413 = arith.shli %bitcast3A_406, %shift_left3A_412 : vector<16xi32>
        %bitcast3A_414 = vector.bitcast %shift_left3A_413 : vector<16xi32> to vector<16xf32>
        %and3A_415 = arith.andi %bitcast3A_402, %broadcast_in_dim3A_42 : vector<16xi32>
        %bitcast3A_416 = vector.bitcast %and3A_415 : vector<16xi32> to vector<16xf32>
        %and3A_417 = arith.andi %bitcast3A_406, %broadcast_in_dim3A_42 : vector<16xi32>
        %bitcast3A_418 = vector.bitcast %and3A_417 : vector<16xi32> to vector<16xf32>
        %add3A_419 = arith.addf %bitcast3A_410, %bitcast3A_414 : vector<16xf32>
        %max3A_420 = arith.constant 0.000000e+00 : f32
        %max3A_421 = vector.broadcast %max3A_420 : f32 to vector<16xf32>
        %max3A_422 = arith.maximumf %add3A_419, %max3A_421 : vector<16xf32>
        %swap3A_423 = arith.index_cast %add3A_398 : i32 to index
        %swap3A_424 = arith.constant 0 : index
        %swap3A_425 = tpu.vector_load %arg12[%swap3A_423, %swap3A_424] {strides = array<i32>} : memref<80x64xf32, #tpu.memory_space<vmem>>, vector<16xf32>,
        tpu.vector_store %arg12[%swap3A_423, %swap3A_424], %max3A_422 {strides = array<i32>} : memref<80x64xf32, #tpu.memory_space<vmem>>, vector<16xf32>,
        %add3A_426 = arith.addf %bitcast3A_416, %bitcast3A_418 : vector<16xf32>
        %max3A_427 = arith.constant 0.000000e+00 : f32
        %max3A_428 = vector.broadcast %max3A_427 : f32 to vector<16xf32>
        %max3A_429 = arith.maximumf %add3A_426, %max3A_428 : vector<16xf32>
        %swap3A_430 = arith.index_cast %add3A_398 : i32 to index
        %swap3A_431 = arith.constant 16 : index
        %swap3A_432 = tpu.vector_load %arg12[%swap3A_430, %swap3A_431] {strides = array<i32>} : memref<80x64xf32, #tpu.memory_space<vmem>>, vector<16xf32>,
        tpu.vector_store %arg12[%swap3A_430, %swap3A_431], %max3A_429 {strides = array<i32>} : memref<80x64xf32, #tpu.memory_space<vmem>>, vector<16xf32>,
        %get3A_433 = arith.index_cast %add3A_398 : i32 to index
        %get3A_434 = arith.constant 32 : index
        %get3A_435 = tpu.vector_load %arg8[%get3A_433, %get3A_434] {strides = array<i32>} : memref<80x64xbf16, #tpu.memory_space<vmem>>, vector<32xbf16>,
        %bitcast3A_436 = vector.bitcast %get3A_435 : vector<32xbf16> to vector<16xi32>
        %get3A_437 = arith.index_cast %add3A_398 : i32 to index
        %get3A_438 = arith.constant 32 : index
        %get3A_439 = tpu.vector_load %arg9[%get3A_437, %get3A_438] {strides = array<i32>} : memref<80x64xbf16, #tpu.memory_space<vmem>>, vector<32xbf16>,
        %bitcast3A_440 = vector.bitcast %get3A_439 : vector<32xbf16> to vector<16xi32>
        %shift_left3A_441 = arith.constant 16 : i32
        %shift_left3A_442 = vector.broadcast %shift_left3A_441 : i32 to vector<16xi32>
        %shift_left3A_443 = arith.shli %bitcast3A_436, %shift_left3A_442 : vector<16xi32>
        %bitcast3A_444 = vector.bitcast %shift_left3A_443 : vector<16xi32> to vector<16xf32>
        %shift_left3A_445 = arith.constant 16 : i32
        %shift_left3A_446 = vector.broadcast %shift_left3A_445 : i32 to vector<16xi32>
        %shift_left3A_447 = arith.shli %bitcast3A_440, %shift_left3A_446 : vector<16xi32>
        %bitcast3A_448 = vector.bitcast %shift_left3A_447 : vector<16xi32> to vector<16xf32>
        %and3A_449 = arith.andi %bitcast3A_436, %broadcast_in_dim3A_42 : vector<16xi32>
        %bitcast3A_450 = vector.bitcast %and3A_449 : vector<16xi32> to vector<16xf32>
        %and3A_451 = arith.andi %bitcast3A_440, %broadcast_in_dim3A_42 : vector<16xi32>
        %bitcast3A_452 = vector.bitcast %and3A_451 : vector<16xi32> to vector<16xf32>
        %add3A_453 = arith.addf %bitcast3A_444, %bitcast3A_448 : vector<16xf32>
        %max3A_454 = arith.constant 0.000000e+00 : f32
        %max3A_455 = vector.broadcast %max3A_454 : f32 to vector<16xf32>
        %max3A_456 = arith.maximumf %add3A_453, %max3A_455 : vector<16xf32>
        %swap3A_457 = arith.index_cast %add3A_398 : i32 to index
        %swap3A_458 = arith.constant 32 : index
        %swap3A_459 = tpu.vector_load %arg12[%swap3A_457, %swap3A_458] {strides = array<i32>} : memref<80x64xf32, #tpu.memory_space<vmem>>, vector<16xf32>,
        tpu.vector_store %arg12[%swap3A_457, %swap3A_458], %max3A_456 {strides = array<i32>} : memref<80x64xf32, #tpu.memory_space<vmem>>, vector<16xf32>,
        %add3A_460 = arith.addf %bitcast3A_450, %bitcast3A_452 : vector<16xf32>
        %max3A_461 = arith.constant 0.000000e+00 : f32
        %max3A_462 = vector.broadcast %max3A_461 : f32 to vector<16xf32>
        %max3A_463 = arith.maximumf %add3A_460, %max3A_462 : vector<16xf32>
        %swap3A_464 = arith.index_cast %add3A_398 : i32 to index
        %swap3A_465 = arith.constant 48 : index
        %swap3A_466 = tpu.vector_load %arg12[%swap3A_464, %swap3A_465] {strides = array<i32>} : memref<80x64xf32, #tpu.memory_space<vmem>>, vector<16xf32>,
        tpu.vector_store %arg12[%swap3A_464, %swap3A_465], %max3A_463 {strides = array<i32>} : memref<80x64xf32, #tpu.memory_space<vmem>>, vector<16xf32>,
        %scan3A_467 = arith.constant 3 : i32
        %scan3A_468 = arith.addi %scan3A_252, %scan3A_467 : i32
        %mul3A_469 = arith.constant 1 : i32
        %mul3A_470 = arith.muli %scan3A_468, %mul3A_469 : i32
        %add3A_471 = arith.constant 0 : i32
        %add3A_472 = arith.addi %add3A_471, %mul3A_470 : i32
        %get3A_473 = arith.index_cast %add3A_472 : i32 to index
        %get3A_474 = arith.constant 0 : index
        %get3A_475 = tpu.vector_load %arg8[%get3A_473, %get3A_474] {strides = array<i32>} : memref<80x64xbf16, #tpu.memory_space<vmem>>, vector<32xbf16>,
        %bitcast3A_476 = vector.bitcast %get3A_475 : vector<32xbf16> to vector<16xi32>
        %get3A_477 = arith.index_cast %add3A_472 : i32 to index
        %get3A_478 = arith.constant 0 : index
        %get3A_479 = tpu.vector_load %arg9[%get3A_477, %get3A_478] {strides = array<i32>} : memref<80x64xbf16, #tpu.memory_space<vmem>>, vector<32xbf16>,
        %bitcast3A_480 = vector.bitcast %get3A_479 : vector<32xbf16> to vector<16xi32>
        %shift_left3A_481 = arith.constant 16 : i32
        %shift_left3A_482 = vector.broadcast %shift_left3A_481 : i32 to vector<16xi32>
        %shift_left3A_483 = arith.shli %bitcast3A_476, %shift_left3A_482 : vector<16xi32>
        %bitcast3A_484 = vector.bitcast %shift_left3A_483 : vector<16xi32> to vector<16xf32>
        %shift_left3A_485 = arith.constant 16 : i32
        %shift_left3A_486 = vector.broadcast %shift_left3A_485 : i32 to vector<16xi32>
        %shift_left3A_487 = arith.shli %bitcast3A_480, %shift_left3A_486 : vector<16xi32>
        %bitcast3A_488 = vector.bitcast %shift_left3A_487 : vector<16xi32> to vector<16xf32>
        %and3A_489 = arith.andi %bitcast3A_476, %broadcast_in_dim3A_42 : vector<16xi32>
        %bitcast3A_490 = vector.bitcast %and3A_489 : vector<16xi32> to vector<16xf32>
        %and3A_491 = arith.andi %bitcast3A_480, %broadcast_in_dim3A_42 : vector<16xi32>
        %bitcast3A_492 = vector.bitcast %and3A_491 : vector<16xi32> to vector<16xf32>
        %add3A_493 = arith.addf %bitcast3A_484, %bitcast3A_488 : vector<16xf32>
        %max3A_494 = arith.constant 0.000000e+00 : f32
        %max3A_495 = vector.broadcast %max3A_494 : f32 to vector<16xf32>
        %max3A_496 = arith.maximumf %add3A_493, %max3A_495 : vector<16xf32>
        %swap3A_497 = arith.index_cast %add3A_472 : i32 to index
        %swap3A_498 = arith.constant 0 : index
        %swap3A_499 = tpu.vector_load %arg12[%swap3A_497, %swap3A_498] {strides = array<i32>} : memref<80x64xf32, #tpu.memory_space<vmem>>, vector<16xf32>,
        tpu.vector_store %arg12[%swap3A_497, %swap3A_498], %max3A_496 {strides = array<i32>} : memref<80x64xf32, #tpu.memory_space<vmem>>, vector<16xf32>,
        %add3A_500 = arith.addf %bitcast3A_490, %bitcast3A_492 : vector<16xf32>
        %max3A_501 = arith.constant 0.000000e+00 : f32
        %max3A_502 = vector.broadcast %max3A_501 : f32 to vector<16xf32>
        %max3A_503 = arith.maximumf %add3A_500, %max3A_502 : vector<16xf32>
        %swap3A_504 = arith.index_cast %add3A_472 : i32 to index
        %swap3A_505 = arith.constant 16 : index
        %swap3A_506 = tpu.vector_load %arg12[%swap3A_504, %swap3A_505] {strides = array<i32>} : memref<80x64xf32, #tpu.memory_space<vmem>>, vector<16xf32>,
        tpu.vector_store %arg12[%swap3A_504, %swap3A_505], %max3A_503 {strides = array<i32>} : memref<80x64xf32, #tpu.memory_space<vmem>>, vector<16xf32>,
        %get3A_507 = arith.index_cast %add3A_472 : i32 to index
        %get3A_508 = arith.constant 32 : index
        %get3A_509 = tpu.vector_load %arg8[%get3A_507, %get3A_508] {strides = array<i32>} : memref<80x64xbf16, #tpu.memory_space<vmem>>, vector<32xbf16>,
        %bitcast3A_510 = vector.bitcast %get3A_509 : vector<32xbf16> to vector<16xi32>
        %get3A_511 = arith.index_cast %add3A_472 : i32 to index
        %get3A_512 = arith.constant 32 : index
        %get3A_513 = tpu.vector_load %arg9[%get3A_511, %get3A_512] {strides = array<i32>} : memref<80x64xbf16, #tpu.memory_space<vmem>>, vector<32xbf16>,
        %bitcast3A_514 = vector.bitcast %get3A_513 : vector<32xbf16> to vector<16xi32>
        %shift_left3A_515 = arith.constant 16 : i32
        %shift_left3A_516 = vector.broadcast %shift_left3A_515 : i32 to vector<16xi32>
        %shift_left3A_517 = arith.shli %bitcast3A_510, %shift_left3A_516 : vector<16xi32>
        %bitcast3A_518 = vector.bitcast %shift_left3A_517 : vector<16xi32> to vector<16xf32>
        %shift_left3A_519 = arith.constant 16 : i32
        %shift_left3A_520 = vector.broadcast %shift_left3A_519 : i32 to vector<16xi32>
        %shift_left3A_521 = arith.shli %bitcast3A_514, %shift_left3A_520 : vector<16xi32>
        %bitcast3A_522 = vector.bitcast %shift_left3A_521 : vector<16xi32> to vector<16xf32>
        %and3A_523 = arith.andi %bitcast3A_510, %broadcast_in_dim3A_42 : vector<16xi32>
        %bitcast3A_524 = vector.bitcast %and3A_523 : vector<16xi32> to vector<16xf32>
        %and3A_525 = arith.andi %bitcast3A_514, %broadcast_in_dim3A_42 : vector<16xi32>
        %bitcast3A_526 = vector.bitcast %and3A_525 : vector<16xi32> to vector<16xf32>
        %add3A_527 = arith.addf %bitcast3A_518, %bitcast3A_522 : vector<16xf32>
        %max3A_528 = arith.constant 0.000000e+00 : f32
        %max3A_529 = vector.broadcast %max3A_528 : f32 to vector<16xf32>
        %max3A_530 = arith.maximumf %add3A_527, %max3A_529 : vector<16xf32>
        %swap3A_531 = arith.index_cast %add3A_472 : i32 to index
        %swap3A_532 = arith.constant 32 : index
        %swap3A_533 = tpu.vector_load %arg12[%swap3A_531, %swap3A_532] {strides = array<i32>} : memref<80x64xf32, #tpu.memory_space<vmem>>, vector<16xf32>,
        tpu.vector_store %arg12[%swap3A_531, %swap3A_532], %max3A_530 {strides = array<i32>} : memref<80x64xf32, #tpu.memory_space<vmem>>, vector<16xf32>,
        %add3A_534 = arith.addf %bitcast3A_524, %bitcast3A_526 : vector<16xf32>
        %max3A_535 = arith.constant 0.000000e+00 : f32
        %max3A_536 = vector.broadcast %max3A_535 : f32 to vector<16xf32>
        %max3A_537 = arith.maximumf %add3A_534, %max3A_536 : vector<16xf32>
        %swap3A_538 = arith.index_cast %add3A_472 : i32 to index
        %swap3A_539 = arith.constant 48 : index
        %swap3A_540 = tpu.vector_load %arg12[%swap3A_538, %swap3A_539] {strides = array<i32>} : memref<80x64xf32, #tpu.memory_space<vmem>>, vector<16xf32>,
        tpu.vector_store %arg12[%swap3A_538, %swap3A_539], %max3A_537 {strides = array<i32>} : memref<80x64xf32, #tpu.memory_space<vmem>>, vector<16xf32>,
      }
      %scan3A_188 = arith.constant 80 : i32
      %dma_start3A_189 = arith.constant 0 : i32
      %dma_start3A_190 = tpu.memref_slice %arg6[%min3A_137, %dma_start3A_189] : memref<250x80xi32, #tpu.memory_space<vmem>> -> memref<1x80xi32, #tpu.memory_space<vmem>>
      %dma_start3A_191 = tpu.memref_squeeze %dma_start3A_190 : memref<1x80xi32, #tpu.memory_space<vmem>> -> memref<80xi32, #tpu.memory_space<vmem>>
      %dma_start3A_192 = arith.constant 0 : i32
      %dma_start3A_193 = arith.constant 0 : i32
      %dma_start3A_194 = tpu.memref_slice %arg2[%arg0, %dma_start3A_192, %dma_start3A_193] : memref<2x20000x64xbf16, #tpu.memory_space<hbm>> -> memref<1x20000x64xbf16, #tpu.memory_space<hbm>>
      %dma_start3A_195 = tpu.memref_squeeze %dma_start3A_194 : memref<1x20000x64xbf16, #tpu.memory_space<hbm>> -> memref<20000x64xbf16, #tpu.memory_space<hbm>>
      %dma_start3A_196 = arith.constant 0 : i32
      %dma_start3A_197 = arith.constant 0 : i32
      %dma_start3A_198 = tpu.memref_slice %dma_start3A_195[%dma_start3A_196, %dma_start3A_197] : memref<20000x64xbf16, #tpu.memory_space<hbm>> -> memref<20000x64xbf16, #tpu.memory_space<hbm>>
      tpu.enqueue_indirect_dma source(%dma_start3A_198 : memref<20000x64xbf16, #tpu.memory_space<hbm>>) target(%arg8 : memref<80x64xbf16, #tpu.memory_space<vmem>>) offsets(%dma_start3A_191 : memref<80xi32, #tpu.memory_space<vmem>>) semaphore(%arg15 : memref<!tpu.dma_semaphore, #tpu.memory_space<semaphore_mem>>)
      %dma_start3A_199 = arith.constant 0 : i32
      %dma_start3A_200 = tpu.memref_slice %arg7[%min3A_137, %dma_start3A_199] : memref<250x80xi32, #tpu.memory_space<vmem>> -> memref<1x80xi32, #tpu.memory_space<vmem>>
      %dma_start3A_201 = tpu.memref_squeeze %dma_start3A_200 : memref<1x80xi32, #tpu.memory_space<vmem>> -> memref<80xi32, #tpu.memory_space<vmem>>
      %dma_start3A_202 = arith.constant 0 : i32
      %dma_start3A_203 = arith.constant 0 : i32
      %dma_start3A_204 = tpu.memref_slice %arg2[%arg0, %dma_start3A_202, %dma_start3A_203] : memref<2x20000x64xbf16, #tpu.memory_space<hbm>> -> memref<1x20000x64xbf16, #tpu.memory_space<hbm>>
      %dma_start3A_205 = tpu.memref_squeeze %dma_start3A_204 : memref<1x20000x64xbf16, #tpu.memory_space<hbm>> -> memref<20000x64xbf16, #tpu.memory_space<hbm>>
      %dma_start3A_206 = arith.constant 0 : i32
      %dma_start3A_207 = arith.constant 0 : i32
      %dma_start3A_208 = tpu.memref_slice %dma_start3A_205[%dma_start3A_206, %dma_start3A_207] : memref<20000x64xbf16, #tpu.memory_space<hbm>> -> memref<20000x64xbf16, #tpu.memory_space<hbm>>
      tpu.enqueue_indirect_dma source(%dma_start3A_208 : memref<20000x64xbf16, #tpu.memory_space<hbm>>) target(%arg9 : memref<80x64xbf16, #tpu.memory_space<vmem>>) offsets(%dma_start3A_201 : memref<80xi32, #tpu.memory_space<vmem>>) semaphore(%arg16 : memref<!tpu.dma_semaphore, #tpu.memory_space<semaphore_mem>>)
      %dma_start3A_209 = arith.constant 0 : i32
      %dma_start3A_210 = tpu.memref_slice %arg7[%mul3A_132, %dma_start3A_209] : memref<250x80xi32, #tpu.memory_space<vmem>> -> memref<1x80xi32, #tpu.memory_space<vmem>>
      %dma_start3A_211 = tpu.memref_squeeze %dma_start3A_210 : memref<1x80xi32, #tpu.memory_space<vmem>> -> memref<80xi32, #tpu.memory_space<vmem>>
      %dma_start3A_212 = arith.constant 0 : i32
      %dma_start3A_213 = arith.constant 0 : i32
      %dma_start3A_214 = tpu.memref_slice %arg14[%dma_start3A_212, %dma_start3A_213] : memref<10240x64xf32, #tpu.memory_space<vmem_shared>> -> memref<10240x64xf32, #tpu.memory_space<vmem_shared>>
      tpu.enqueue_indirect_dma source(%arg12 : memref<80x64xf32, #tpu.memory_space<vmem>>) target(%dma_start3A_214 : memref<10240x64xf32, #tpu.memory_space<vmem_shared>>) offsets(%dma_start3A_211 : memref<80xi32, #tpu.memory_space<vmem>>) semaphore(%arg19 : memref<!tpu.dma_semaphore, #tpu.memory_space<semaphore_mem>>) {add = true}
      %dma_wait3A_215 = arith.constant 0 : i32
      %dma_wait3A_216 = tpu.memref_slice %arg6[%add3A_134, %dma_wait3A_215] : memref<250x80xi32, #tpu.memory_space<vmem>> -> memref<1x80xi32, #tpu.memory_space<vmem>>
      %dma_wait3A_217 = tpu.memref_squeeze %dma_wait3A_216 : memref<1x80xi32, #tpu.memory_space<vmem>> -> memref<80xi32, #tpu.memory_space<vmem>>
      %dma_wait3A_218 = arith.constant 0 : i32
      %dma_wait3A_219 = arith.constant 0 : i32
      %dma_wait3A_220 = tpu.memref_slice %arg2[%arg0, %dma_wait3A_218, %dma_wait3A_219] : memref<2x20000x64xbf16, #tpu.memory_space<hbm>> -> memref<1x20000x64xbf16, #tpu.memory_space<hbm>>
      %dma_wait3A_221 = tpu.memref_squeeze %dma_wait3A_220 : memref<1x20000x64xbf16, #tpu.memory_space<hbm>> -> memref<20000x64xbf16, #tpu.memory_space<hbm>>
      %dma_wait3A_222 = arith.constant 0 : i32
      %dma_wait3A_223 = arith.constant 0 : i32
      %dma_wait3A_224 = tpu.memref_slice %dma_wait3A_221[%dma_wait3A_222, %dma_wait3A_223] : memref<20000x64xbf16, #tpu.memory_space<hbm>> -> memref<20000x64xbf16, #tpu.memory_space<hbm>>
      tpu.wait_indirect_dma semaphore(%arg17 : memref<!tpu.dma_semaphore, #tpu.memory_space<semaphore_mem>>) src(%dma_wait3A_224 : memref<20000x64xbf16, #tpu.memory_space<hbm>>) dst(%arg10 : memref<80x64xbf16, #tpu.memory_space<vmem>>)
      %dma_wait3A_225 = arith.constant 0 : i32
      %dma_wait3A_226 = tpu.memref_slice %arg7[%add3A_134, %dma_wait3A_225] : memref<250x80xi32, #tpu.memory_space<vmem>> -> memref<1x80xi32, #tpu.memory_space<vmem>>
      %dma_wait3A_227 = tpu.memref_squeeze %dma_wait3A_226 : memref<1x80xi32, #tpu.memory_space<vmem>> -> memref<80xi32, #tpu.memory_space<vmem>>
      %dma_wait3A_228 = arith.constant 0 : i32
      %dma_wait3A_229 = arith.constant 0 : i32
      %dma_wait3A_230 = tpu.memref_slice %arg2[%arg0, %dma_wait3A_228, %dma_wait3A_229] : memref<2x20000x64xbf16, #tpu.memory_space<hbm>> -> memref<1x20000x64xbf16, #tpu.memory_space<hbm>>
      %dma_wait3A_231 = tpu.memref_squeeze %dma_wait3A_230 : memref<1x20000x64xbf16, #tpu.memory_space<hbm>> -> memref<20000x64xbf16, #tpu.memory_space<hbm>>
      %dma_wait3A_232 = arith.constant 0 : i32
      %dma_wait3A_233 = arith.constant 0 : i32
      %dma_wait3A_234 = tpu.memref_slice %dma_wait3A_231[%dma_wait3A_232, %dma_wait3A_233] : memref<20000x64xbf16, #tpu.memory_space<hbm>> -> memref<20000x64xbf16, #tpu.memory_space<hbm>>
      tpu.wait_indirect_dma semaphore(%arg18 : memref<!tpu.dma_semaphore, #tpu.memory_space<semaphore_mem>>) src(%dma_wait3A_234 : memref<20000x64xbf16, #tpu.memory_space<hbm>>) dst(%arg11 : memref<80x64xbf16, #tpu.memory_space<vmem>>)
      %dma_wait3A_235 = arith.constant 0 : i32
      %dma_wait3A_236 = tpu.memref_slice %arg7[%add3A_134, %dma_wait3A_235] : memref<250x80xi32, #tpu.memory_space<vmem>> -> memref<1x80xi32, #tpu.memory_space<vmem>>
      %dma_wait3A_237 = tpu.memref_squeeze %dma_wait3A_236 : memref<1x80xi32, #tpu.memory_space<vmem>> -> memref<80xi32, #tpu.memory_space<vmem>>
      %dma_wait3A_238 = arith.constant 0 : i32
      %dma_wait3A_239 = arith.constant 0 : i32
      %dma_wait3A_240 = tpu.memref_slice %arg14[%dma_wait3A_238, %dma_wait3A_239] : memref<10240x64xf32, #tpu.memory_space<vmem_shared>> -> memref<10240x64xf32, #tpu.memory_space<vmem_shared>>
      tpu.wait_indirect_dma semaphore(%arg20 : memref<!tpu.dma_semaphore, #tpu.memory_space<semaphore_mem>>) src(%arg13 : memref<80x64xf32, #tpu.memory_space<vmem>>) dst(%dma_wait3A_240 : memref<10240x64xf32, #tpu.memory_space<vmem_shared>>)
      %scan3A_241 = arith.constant 0 : i32
      %scan3A_242 = arith.constant 80 : i32
      %scan3A_243 = arith.addi %scan3A_241, %scan3A_242 : i32
      %scan3A_244 = arith.constant 4 : i32
      scf.for %scan3A_252 = %scan3A_241 to %scan3A_243 step %scan3A_244  : i32 {
        %mul3A_253 = arith.constant 1 : i32
        %mul3A_254 = arith.muli %scan3A_252, %mul3A_253 : i32
        %add3A_255 = arith.constant 0 : i32
        %add3A_256 = arith.addi %add3A_255, %mul3A_254 : i32
        %get3A = arith.index_cast %add3A_256 : i32 to index
        %get3A_257 = arith.constant 0 : index
        %get3A_258 = tpu.vector_load %arg10[%get3A, %get3A_257] {strides = array<i32>} : memref<80x64xbf16, #tpu.memory_space<vmem>>, vector<32xbf16>,
        %bitcast3A = vector.bitcast %get3A_258 : vector<32xbf16> to vector<16xi32>
        %get3A_259 = arith.index_cast %add3A_256 : i32 to index
        %get3A_260 = arith.constant 0 : index
        %get3A_261 = tpu.vector_load %arg11[%get3A_259, %get3A_260] {strides = array<i32>} : memref<80x64xbf16, #tpu.memory_space<vmem>>, vector<32xbf16>,
        %bitcast3A_262 = vector.bitcast %get3A_261 : vector<32xbf16> to vector<16xi32>
        %shift_left3A = arith.constant 16 : i32
        %shift_left3A_263 = vector.broadcast %shift_left3A : i32 to vector<16xi32>
        %shift_left3A_264 = arith.shli %bitcast3A, %shift_left3A_263 : vector<16xi32>
        %bitcast3A_265 = vector.bitcast %shift_left3A_264 : vector<16xi32> to vector<16xf32>
        %shift_left3A_266 = arith.constant 16 : i32
        %shift_left3A_267 = vector.broadcast %shift_left3A_266 : i32 to vector<16xi32>
        %shift_left3A_268 = arith.shli %bitcast3A_262, %shift_left3A_267 : vector<16xi32>
        %bitcast3A_269 = vector.bitcast %shift_left3A_268 : vector<16xi32> to vector<16xf32>
        %and3A = arith.andi %bitcast3A, %broadcast_in_dim3A_42 : vector<16xi32>
        %bitcast3A_270 = vector.bitcast %and3A : vector<16xi32> to vector<16xf32>
        %and3A_271 = arith.andi %bitcast3A_262, %broadcast_in_dim3A_42 : vector<16xi32>
        %bitcast3A_272 = vector.bitcast %and3A_271 : vector<16xi32> to vector<16xf32>
        %add3A_273 = arith.addf %bitcast3A_265, %bitcast3A_269 : vector<16xf32>
        %max3A = arith.constant 0.000000e+00 : f32
        %max3A_274 = vector.broadcast %max3A : f32 to vector<16xf32>
        %max3A_275 = arith.maximumf %add3A_273, %max3A_274 : vector<16xf32>
        %swap3A = arith.index_cast %add3A_256 : i32 to index
        %swap3A_276 = arith.constant 0 : index
        %swap3A_277 = tpu.vector_load %arg13[%swap3A, %swap3A_276] {strides = array<i32>} : memref<80x64xf32, #tpu.memory_space<vmem>>, vector<16xf32>,
        tpu.vector_store %arg13[%swap3A, %swap3A_276], %max3A_275 {strides = array<i32>} : memref<80x64xf32, #tpu.memory_space<vmem>>, vector<16xf32>,
        %add3A_278 = arith.addf %bitcast3A_270, %bitcast3A_272 : vector<16xf32>
        %max3A_279 = arith.constant 0.000000e+00 : f32
        %max3A_280 = vector.broadcast %max3A_279 : f32 to vector<16xf32>
        %max3A_281 = arith.maximumf %add3A_278, %max3A_280 : vector<16xf32>
        %swap3A_282 = arith.index_cast %add3A_256 : i32 to index
        %swap3A_283 = arith.constant 16 : index
        %swap3A_284 = tpu.vector_load %arg13[%swap3A_282, %swap3A_283] {strides = array<i32>} : memref<80x64xf32, #tpu.memory_space<vmem>>, vector<16xf32>,
        tpu.vector_store %arg13[%swap3A_282, %swap3A_283], %max3A_281 {strides = array<i32>} : memref<80x64xf32, #tpu.memory_space<vmem>>, vector<16xf32>,
        %get3A_285 = arith.index_cast %add3A_256 : i32 to index
        %get3A_286 = arith.constant 32 : index
        %get3A_287 = tpu.vector_load %arg10[%get3A_285, %get3A_286] {strides = array<i32>} : memref<80x64xbf16, #tpu.memory_space<vmem>>, vector<32xbf16>,
        %bitcast3A_288 = vector.bitcast %get3A_287 : vector<32xbf16> to vector<16xi32>
        %get3A_289 = arith.index_cast %add3A_256 : i32 to index
        %get3A_290 = arith.constant 32 : index
        %get3A_291 = tpu.vector_load %arg11[%get3A_289, %get3A_290] {strides = array<i32>} : memref<80x64xbf16, #tpu.memory_space<vmem>>, vector<32xbf16>,
        %bitcast3A_292 = vector.bitcast %get3A_291 : vector<32xbf16> to vector<16xi32>
        %shift_left3A_293 = arith.constant 16 : i32
        %shift_left3A_294 = vector.broadcast %shift_left3A_293 : i32 to vector<16xi32>
        %shift_left3A_295 = arith.shli %bitcast3A_288, %shift_left3A_294 : vector<16xi32>
        %bitcast3A_296 = vector.bitcast %shift_left3A_295 : vector<16xi32> to vector<16xf32>
        %shift_left3A_297 = arith.constant 16 : i32
        %shift_left3A_298 = vector.broadcast %shift_left3A_297 : i32 to vector<16xi32>
        %shift_left3A_299 = arith.shli %bitcast3A_292, %shift_left3A_298 : vector<16xi32>
        %bitcast3A_300 = vector.bitcast %shift_left3A_299 : vector<16xi32> to vector<16xf32>
        %and3A_301 = arith.andi %bitcast3A_288, %broadcast_in_dim3A_42 : vector<16xi32>
        %bitcast3A_302 = vector.bitcast %and3A_301 : vector<16xi32> to vector<16xf32>
        %and3A_303 = arith.andi %bitcast3A_292, %broadcast_in_dim3A_42 : vector<16xi32>
        %bitcast3A_304 = vector.bitcast %and3A_303 : vector<16xi32> to vector<16xf32>
        %add3A_305 = arith.addf %bitcast3A_296, %bitcast3A_300 : vector<16xf32>
        %max3A_306 = arith.constant 0.000000e+00 : f32
        %max3A_307 = vector.broadcast %max3A_306 : f32 to vector<16xf32>
        %max3A_308 = arith.maximumf %add3A_305, %max3A_307 : vector<16xf32>
        %swap3A_309 = arith.index_cast %add3A_256 : i32 to index
        %swap3A_310 = arith.constant 32 : index
        %swap3A_311 = tpu.vector_load %arg13[%swap3A_309, %swap3A_310] {strides = array<i32>} : memref<80x64xf32, #tpu.memory_space<vmem>>, vector<16xf32>,
        tpu.vector_store %arg13[%swap3A_309, %swap3A_310], %max3A_308 {strides = array<i32>} : memref<80x64xf32, #tpu.memory_space<vmem>>, vector<16xf32>,
        %add3A_312 = arith.addf %bitcast3A_302, %bitcast3A_304 : vector<16xf32>
        %max3A_313 = arith.constant 0.000000e+00 : f32
        %max3A_314 = vector.broadcast %max3A_313 : f32 to vector<16xf32>
        %max3A_315 = arith.maximumf %add3A_312, %max3A_314 : vector<16xf32>
        %swap3A_316 = arith.index_cast %add3A_256 : i32 to index
        %swap3A_317 = arith.constant 48 : index
        %swap3A_318 = tpu.vector_load %arg13[%swap3A_316, %swap3A_317] {strides = array<i32>} : memref<80x64xf32, #tpu.memory_space<vmem>>, vector<16xf32>,
        tpu.vector_store %arg13[%swap3A_316, %swap3A_317], %max3A_315 {strides = array<i32>} : memref<80x64xf32, #tpu.memory_space<vmem>>, vector<16xf32>,
        %scan3A_319 = arith.constant 1 : i32
        %scan3A_320 = arith.addi %scan3A_252, %scan3A_319 : i32
        %mul3A_321 = arith.constant 1 : i32
        %mul3A_322 = arith.muli %scan3A_320, %mul3A_321 : i32
        %add3A_323 = arith.constant 0 : i32
        %add3A_324 = arith.addi %add3A_323, %mul3A_322 : i32
        %get3A_325 = arith.index_cast %add3A_324 : i32 to index
        %get3A_326 = arith.constant 0 : index
        %get3A_327 = tpu.vector_load %arg10[%get3A_325, %get3A_326] {strides = array<i32>} : memref<80x64xbf16, #tpu.memory_space<vmem>>, vector<32xbf16>,
        %bitcast3A_328 = vector.bitcast %get3A_327 : vector<32xbf16> to vector<16xi32>
        %get3A_329 = arith.index_cast %add3A_324 : i32 to index
        %get3A_330 = arith.constant 0 : index
        %get3A_331 = tpu.vector_load %arg11[%get3A_329, %get3A_330] {strides = array<i32>} : memref<80x64xbf16, #tpu.memory_space<vmem>>, vector<32xbf16>,
        %bitcast3A_332 = vector.bitcast %get3A_331 : vector<32xbf16> to vector<16xi32>
        %shift_left3A_333 = arith.constant 16 : i32
        %shift_left3A_334 = vector.broadcast %shift_left3A_333 : i32 to vector<16xi32>
        %shift_left3A_335 = arith.shli %bitcast3A_328, %shift_left3A_334 : vector<16xi32>
        %bitcast3A_336 = vector.bitcast %shift_left3A_335 : vector<16xi32> to vector<16xf32>
        %shift_left3A_337 = arith.constant 16 : i32
        %shift_left3A_338 = vector.broadcast %shift_left3A_337 : i32 to vector<16xi32>
        %shift_left3A_339 = arith.shli %bitcast3A_332, %shift_left3A_338 : vector<16xi32>
        %bitcast3A_340 = vector.bitcast %shift_left3A_339 : vector<16xi32> to vector<16xf32>
        %and3A_341 = arith.andi %bitcast3A_328, %broadcast_in_dim3A_42 : vector<16xi32>
        %bitcast3A_342 = vector.bitcast %and3A_341 : vector<16xi32> to vector<16xf32>
        %and3A_343 = arith.andi %bitcast3A_332, %broadcast_in_dim3A_42 : vector<16xi32>
        %bitcast3A_344 = vector.bitcast %and3A_343 : vector<16xi32> to vector<16xf32>
        %add3A_345 = arith.addf %bitcast3A_336, %bitcast3A_340 : vector<16xf32>
        %max3A_346 = arith.constant 0.000000e+00 : f32
        %max3A_347 = vector.broadcast %max3A_346 : f32 to vector<16xf32>
        %max3A_348 = arith.maximumf %add3A_345, %max3A_347 : vector<16xf32>
        %swap3A_349 = arith.index_cast %add3A_324 : i32 to index
        %swap3A_350 = arith.constant 0 : index
        %swap3A_351 = tpu.vector_load %arg13[%swap3A_349, %swap3A_350] {strides = array<i32>} : memref<80x64xf32, #tpu.memory_space<vmem>>, vector<16xf32>,
        tpu.vector_store %arg13[%swap3A_349, %swap3A_350], %max3A_348 {strides = array<i32>} : memref<80x64xf32, #tpu.memory_space<vmem>>, vector<16xf32>,
        %add3A_352 = arith.addf %bitcast3A_342, %bitcast3A_344 : vector<16xf32>
        %max3A_353 = arith.constant 0.000000e+00 : f32
        %max3A_354 = vector.broadcast %max3A_353 : f32 to vector<16xf32>
        %max3A_355 = arith.maximumf %add3A_352, %max3A_354 : vector<16xf32>
        %swap3A_356 = arith.index_cast %add3A_324 : i32 to index
        %swap3A_357 = arith.constant 16 : index
        %swap3A_358 = tpu.vector_load %arg13[%swap3A_356, %swap3A_357] {strides = array<i32>} : memref<80x64xf32, #tpu.memory_space<vmem>>, vector<16xf32>,
        tpu.vector_store %arg13[%swap3A_356, %swap3A_357], %max3A_355 {strides = array<i32>} : memref<80x64xf32, #tpu.memory_space<vmem>>, vector<16xf32>,
        %get3A_359 = arith.index_cast %add3A_324 : i32 to index
        %get3A_360 = arith.constant 32 : index
        %get3A_361 = tpu.vector_load %arg10[%get3A_359, %get3A_360] {strides = array<i32>} : memref<80x64xbf16, #tpu.memory_space<vmem>>, vector<32xbf16>,
        %bitcast3A_362 = vector.bitcast %get3A_361 : vector<32xbf16> to vector<16xi32>
        %get3A_363 = arith.index_cast %add3A_324 : i32 to index
        %get3A_364 = arith.constant 32 : index
        %get3A_365 = tpu.vector_load %arg11[%get3A_363, %get3A_364] {strides = array<i32>} : memref<80x64xbf16, #tpu.memory_space<vmem>>, vector<32xbf16>,
        %bitcast3A_366 = vector.bitcast %get3A_365 : vector<32xbf16> to vector<16xi32>
        %shift_left3A_367 = arith.constant 16 : i32
        %shift_left3A_368 = vector.broadcast %shift_left3A_367 : i32 to vector<16xi32>
        %shift_left3A_369 = arith.shli %bitcast3A_362, %shift_left3A_368 : vector<16xi32>
        %bitcast3A_370 = vector.bitcast %shift_left3A_369 : vector<16xi32> to vector<16xf32>
        %shift_left3A_371 = arith.constant 16 : i32
        %shift_left3A_372 = vector.broadcast %shift_left3A_371 : i32 to vector<16xi32>
        %shift_left3A_373 = arith.shli %bitcast3A_366, %shift_left3A_372 : vector<16xi32>
        %bitcast3A_374 = vector.bitcast %shift_left3A_373 : vector<16xi32> to vector<16xf32>
        %and3A_375 = arith.andi %bitcast3A_362, %broadcast_in_dim3A_42 : vector<16xi32>
        %bitcast3A_376 = vector.bitcast %and3A_375 : vector<16xi32> to vector<16xf32>
        %and3A_377 = arith.andi %bitcast3A_366, %broadcast_in_dim3A_42 : vector<16xi32>
        %bitcast3A_378 = vector.bitcast %and3A_377 : vector<16xi32> to vector<16xf32>
        %add3A_379 = arith.addf %bitcast3A_370, %bitcast3A_374 : vector<16xf32>
        %max3A_380 = arith.constant 0.000000e+00 : f32
        %max3A_381 = vector.broadcast %max3A_380 : f32 to vector<16xf32>
        %max3A_382 = arith.maximumf %add3A_379, %max3A_381 : vector<16xf32>
        %swap3A_383 = arith.index_cast %add3A_324 : i32 to index
        %swap3A_384 = arith.constant 32 : index
        %swap3A_385 = tpu.vector_load %arg13[%swap3A_383, %swap3A_384] {strides = array<i32>} : memref<80x64xf32, #tpu.memory_space<vmem>>, vector<16xf32>,
        tpu.vector_store %arg13[%swap3A_383, %swap3A_384], %max3A_382 {strides = array<i32>} : memref<80x64xf32, #tpu.memory_space<vmem>>, vector<16xf32>,
        %add3A_386 = arith.addf %bitcast3A_376, %bitcast3A_378 : vector<16xf32>
        %max3A_387 = arith.constant 0.000000e+00 : f32
        %max3A_388 = vector.broadcast %max3A_387 : f32 to vector<16xf32>
        %max3A_389 = arith.maximumf %add3A_386, %max3A_388 : vector<16xf32>
        %swap3A_390 = arith.index_cast %add3A_324 : i32 to index
        %swap3A_391 = arith.constant 48 : index
        %swap3A_392 = tpu.vector_load %arg13[%swap3A_390, %swap3A_391] {strides = array<i32>} : memref<80x64xf32, #tpu.memory_space<vmem>>, vector<16xf32>,
        tpu.vector_store %arg13[%swap3A_390, %swap3A_391], %max3A_389 {strides = array<i32>} : memref<80x64xf32, #tpu.memory_space<vmem>>, vector<16xf32>,
        %scan3A_393 = arith.constant 2 : i32
        %scan3A_394 = arith.addi %scan3A_252, %scan3A_393 : i32
        %mul3A_395 = arith.constant 1 : i32
        %mul3A_396 = arith.muli %scan3A_394, %mul3A_395 : i32
        %add3A_397 = arith.constant 0 : i32
        %add3A_398 = arith.addi %add3A_397, %mul3A_396 : i32
        %get3A_399 = arith.index_cast %add3A_398 : i32 to index
        %get3A_400 = arith.constant 0 : index
        %get3A_401 = tpu.vector_load %arg10[%get3A_399, %get3A_400] {strides = array<i32>} : memref<80x64xbf16, #tpu.memory_space<vmem>>, vector<32xbf16>,
        %bitcast3A_402 = vector.bitcast %get3A_401 : vector<32xbf16> to vector<16xi32>
        %get3A_403 = arith.index_cast %add3A_398 : i32 to index
        %get3A_404 = arith.constant 0 : index
        %get3A_405 = tpu.vector_load %arg11[%get3A_403, %get3A_404] {strides = array<i32>} : memref<80x64xbf16, #tpu.memory_space<vmem>>, vector<32xbf16>,
        %bitcast3A_406 = vector.bitcast %get3A_405 : vector<32xbf16> to vector<16xi32>
        %shift_left3A_407 = arith.constant 16 : i32
        %shift_left3A_408 = vector.broadcast %shift_left3A_407 : i32 to vector<16xi32>
        %shift_left3A_409 = arith.shli %bitcast3A_402, %shift_left3A_408 : vector<16xi32>
        %bitcast3A_410 = vector.bitcast %shift_left3A_409 : vector<16xi32> to vector<16xf32>
        %shift_left3A_411 = arith.constant 16 : i32
        %shift_left3A_412 = vector.broadcast %shift_left3A_411 : i32 to vector<16xi32>
        %shift_left3A_413 = arith.shli %bitcast3A_406, %shift_left3A_412 : vector<16xi32>
        %bitcast3A_414 = vector.bitcast %shift_left3A_413 : vector<16xi32> to vector<16xf32>
        %and3A_415 = arith.andi %bitcast3A_402, %broadcast_in_dim3A_42 : vector<16xi32>
        %bitcast3A_416 = vector.bitcast %and3A_415 : vector<16xi32> to vector<16xf32>
        %and3A_417 = arith.andi %bitcast3A_406, %broadcast_in_dim3A_42 : vector<16xi32>
        %bitcast3A_418 = vector.bitcast %and3A_417 : vector<16xi32> to vector<16xf32>
        %add3A_419 = arith.addf %bitcast3A_410, %bitcast3A_414 : vector<16xf32>
        %max3A_420 = arith.constant 0.000000e+00 : f32
        %max3A_421 = vector.broadcast %max3A_420 : f32 to vector<16xf32>
        %max3A_422 = arith.maximumf %add3A_419, %max3A_421 : vector<16xf32>
        %swap3A_423 = arith.index_cast %add3A_398 : i32 to index
        %swap3A_424 = arith.constant 0 : index
        %swap3A_425 = tpu.vector_load %arg13[%swap3A_423, %swap3A_424] {strides = array<i32>} : memref<80x64xf32, #tpu.memory_space<vmem>>, vector<16xf32>,
        tpu.vector_store %arg13[%swap3A_423, %swap3A_424], %max3A_422 {strides = array<i32>} : memref<80x64xf32, #tpu.memory_space<vmem>>, vector<16xf32>,
        %add3A_426 = arith.addf %bitcast3A_416, %bitcast3A_418 : vector<16xf32>
        %max3A_427 = arith.constant 0.000000e+00 : f32
        %max3A_428 = vector.broadcast %max3A_427 : f32 to vector<16xf32>
        %max3A_429 = arith.maximumf %add3A_426, %max3A_428 : vector<16xf32>
        %swap3A_430 = arith.index_cast %add3A_398 : i32 to index
        %swap3A_431 = arith.constant 16 : index
        %swap3A_432 = tpu.vector_load %arg13[%swap3A_430, %swap3A_431] {strides = array<i32>} : memref<80x64xf32, #tpu.memory_space<vmem>>, vector<16xf32>,
        tpu.vector_store %arg13[%swap3A_430, %swap3A_431], %max3A_429 {strides = array<i32>} : memref<80x64xf32, #tpu.memory_space<vmem>>, vector<16xf32>,
        %get3A_433 = arith.index_cast %add3A_398 : i32 to index
        %get3A_434 = arith.constant 32 : index
        %get3A_435 = tpu.vector_load %arg10[%get3A_433, %get3A_434] {strides = array<i32>} : memref<80x64xbf16, #tpu.memory_space<vmem>>, vector<32xbf16>,
        %bitcast3A_436 = vector.bitcast %get3A_435 : vector<32xbf16> to vector<16xi32>
        %get3A_437 = arith.index_cast %add3A_398 : i32 to index
        %get3A_438 = arith.constant 32 : index
        %get3A_439 = tpu.vector_load %arg11[%get3A_437, %get3A_438] {strides = array<i32>} : memref<80x64xbf16, #tpu.memory_space<vmem>>, vector<32xbf16>,
        %bitcast3A_440 = vector.bitcast %get3A_439 : vector<32xbf16> to vector<16xi32>
        %shift_left3A_441 = arith.constant 16 : i32
        %shift_left3A_442 = vector.broadcast %shift_left3A_441 : i32 to vector<16xi32>
        %shift_left3A_443 = arith.shli %bitcast3A_436, %shift_left3A_442 : vector<16xi32>
        %bitcast3A_444 = vector.bitcast %shift_left3A_443 : vector<16xi32> to vector<16xf32>
        %shift_left3A_445 = arith.constant 16 : i32
        %shift_left3A_446 = vector.broadcast %shift_left3A_445 : i32 to vector<16xi32>
        %shift_left3A_447 = arith.shli %bitcast3A_440, %shift_left3A_446 : vector<16xi32>
        %bitcast3A_448 = vector.bitcast %shift_left3A_447 : vector<16xi32> to vector<16xf32>
        %and3A_449 = arith.andi %bitcast3A_436, %broadcast_in_dim3A_42 : vector<16xi32>
        %bitcast3A_450 = vector.bitcast %and3A_449 : vector<16xi32> to vector<16xf32>
        %and3A_451 = arith.andi %bitcast3A_440, %broadcast_in_dim3A_42 : vector<16xi32>
        %bitcast3A_452 = vector.bitcast %and3A_451 : vector<16xi32> to vector<16xf32>
        %add3A_453 = arith.addf %bitcast3A_444, %bitcast3A_448 : vector<16xf32>
        %max3A_454 = arith.constant 0.000000e+00 : f32
        %max3A_455 = vector.broadcast %max3A_454 : f32 to vector<16xf32>
        %max3A_456 = arith.maximumf %add3A_453, %max3A_455 : vector<16xf32>
        %swap3A_457 = arith.index_cast %add3A_398 : i32 to index
        %swap3A_458 = arith.constant 32 : index
        %swap3A_459 = tpu.vector_load %arg13[%swap3A_457, %swap3A_458] {strides = array<i32>} : memref<80x64xf32, #tpu.memory_space<vmem>>, vector<16xf32>,
        tpu.vector_store %arg13[%swap3A_457, %swap3A_458], %max3A_456 {strides = array<i32>} : memref<80x64xf32, #tpu.memory_space<vmem>>, vector<16xf32>,
        %add3A_460 = arith.addf %bitcast3A_450, %bitcast3A_452 : vector<16xf32>
        %max3A_461 = arith.constant 0.000000e+00 : f32
        %max3A_462 = vector.broadcast %max3A_461 : f32 to vector<16xf32>
        %max3A_463 = arith.maximumf %add3A_460, %max3A_462 : vector<16xf32>
        %swap3A_464 = arith.index_cast %add3A_398 : i32 to index
        %swap3A_465 = arith.constant 48 : index
        %swap3A_466 = tpu.vector_load %arg13[%swap3A_464, %swap3A_465] {strides = array<i32>} : memref<80x64xf32, #tpu.memory_space<vmem>>, vector<16xf32>,
        tpu.vector_store %arg13[%swap3A_464, %swap3A_465], %max3A_463 {strides = array<i32>} : memref<80x64xf32, #tpu.memory_space<vmem>>, vector<16xf32>,
        %scan3A_467 = arith.constant 3 : i32
        %scan3A_468 = arith.addi %scan3A_252, %scan3A_467 : i32
        %mul3A_469 = arith.constant 1 : i32
        %mul3A_470 = arith.muli %scan3A_468, %mul3A_469 : i32
        %add3A_471 = arith.constant 0 : i32
        %add3A_472 = arith.addi %add3A_471, %mul3A_470 : i32
        %get3A_473 = arith.index_cast %add3A_472 : i32 to index
        %get3A_474 = arith.constant 0 : index
        %get3A_475 = tpu.vector_load %arg10[%get3A_473, %get3A_474] {strides = array<i32>} : memref<80x64xbf16, #tpu.memory_space<vmem>>, vector<32xbf16>,
        %bitcast3A_476 = vector.bitcast %get3A_475 : vector<32xbf16> to vector<16xi32>
        %get3A_477 = arith.index_cast %add3A_472 : i32 to index
        %get3A_478 = arith.constant 0 : index
        %get3A_479 = tpu.vector_load %arg11[%get3A_477, %get3A_478] {strides = array<i32>} : memref<80x64xbf16, #tpu.memory_space<vmem>>, vector<32xbf16>,
        %bitcast3A_480 = vector.bitcast %get3A_479 : vector<32xbf16> to vector<16xi32>
        %shift_left3A_481 = arith.constant 16 : i32
        %shift_left3A_482 = vector.broadcast %shift_left3A_481 : i32 to vector<16xi32>
        %shift_left3A_483 = arith.shli %bitcast3A_476, %shift_left3A_482 : vector<16xi32>
        %bitcast3A_484 = vector.bitcast %shift_left3A_483 : vector<16xi32> to vector<16xf32>
        %shift_left3A_485 = arith.constant 16 : i32
        %shift_left3A_486 = vector.broadcast %shift_left3A_485 : i32 to vector<16xi32>
        %shift_left3A_487 = arith.shli %bitcast3A_480, %shift_left3A_486 : vector<16xi32>
        %bitcast3A_488 = vector.bitcast %shift_left3A_487 : vector<16xi32> to vector<16xf32>
        %and3A_489 = arith.andi %bitcast3A_476, %broadcast_in_dim3A_42 : vector<16xi32>
        %bitcast3A_490 = vector.bitcast %and3A_489 : vector<16xi32> to vector<16xf32>
        %and3A_491 = arith.andi %bitcast3A_480, %broadcast_in_dim3A_42 : vector<16xi32>
        %bitcast3A_492 = vector.bitcast %and3A_491 : vector<16xi32> to vector<16xf32>
        %add3A_493 = arith.addf %bitcast3A_484, %bitcast3A_488 : vector<16xf32>
        %max3A_494 = arith.constant 0.000000e+00 : f32
        %max3A_495 = vector.broadcast %max3A_494 : f32 to vector<16xf32>
        %max3A_496 = arith.maximumf %add3A_493, %max3A_495 : vector<16xf32>
        %swap3A_497 = arith.index_cast %add3A_472 : i32 to index
        %swap3A_498 = arith.constant 0 : index
        %swap3A_499 = tpu.vector_load %arg13[%swap3A_497, %swap3A_498] {strides = array<i32>} : memref<80x64xf32, #tpu.memory_space<vmem>>, vector<16xf32>,
        tpu.vector_store %arg13[%swap3A_497, %swap3A_498], %max3A_496 {strides = array<i32>} : memref<80x64xf32, #tpu.memory_space<vmem>>, vector<16xf32>,
        %add3A_500 = arith.addf %bitcast3A_490, %bitcast3A_492 : vector<16xf32>
        %max3A_501 = arith.constant 0.000000e+00 : f32
        %max3A_502 = vector.broadcast %max3A_501 : f32 to vector<16xf32>
        %max3A_503 = arith.maximumf %add3A_500, %max3A_502 : vector<16xf32>
        %swap3A_504 = arith.index_cast %add3A_472 : i32 to index
        %swap3A_505 = arith.constant 16 : index
        %swap3A_506 = tpu.vector_load %arg13[%swap3A_504, %swap3A_505] {strides = array<i32>} : memref<80x64xf32, #tpu.memory_space<vmem>>, vector<16xf32>,
        tpu.vector_store %arg13[%swap3A_504, %swap3A_505], %max3A_503 {strides = array<i32>} : memref<80x64xf32, #tpu.memory_space<vmem>>, vector<16xf32>,
        %get3A_507 = arith.index_cast %add3A_472 : i32 to index
        %get3A_508 = arith.constant 32 : index
        %get3A_509 = tpu.vector_load %arg10[%get3A_507, %get3A_508] {strides = array<i32>} : memref<80x64xbf16, #tpu.memory_space<vmem>>, vector<32xbf16>,
        %bitcast3A_510 = vector.bitcast %get3A_509 : vector<32xbf16> to vector<16xi32>
        %get3A_511 = arith.index_cast %add3A_472 : i32 to index
        %get3A_512 = arith.constant 32 : index
        %get3A_513 = tpu.vector_load %arg11[%get3A_511, %get3A_512] {strides = array<i32>} : memref<80x64xbf16, #tpu.memory_space<vmem>>, vector<32xbf16>,
        %bitcast3A_514 = vector.bitcast %get3A_513 : vector<32xbf16> to vector<16xi32>
        %shift_left3A_515 = arith.constant 16 : i32
        %shift_left3A_516 = vector.broadcast %shift_left3A_515 : i32 to vector<16xi32>
        %shift_left3A_517 = arith.shli %bitcast3A_510, %shift_left3A_516 : vector<16xi32>
        %bitcast3A_518 = vector.bitcast %shift_left3A_517 : vector<16xi32> to vector<16xf32>
        %shift_left3A_519 = arith.constant 16 : i32
        %shift_left3A_520 = vector.broadcast %shift_left3A_519 : i32 to vector<16xi32>
        %shift_left3A_521 = arith.shli %bitcast3A_514, %shift_left3A_520 : vector<16xi32>
        %bitcast3A_522 = vector.bitcast %shift_left3A_521 : vector<16xi32> to vector<16xf32>
        %and3A_523 = arith.andi %bitcast3A_510, %broadcast_in_dim3A_42 : vector<16xi32>
        %bitcast3A_524 = vector.bitcast %and3A_523 : vector<16xi32> to vector<16xf32>
        %and3A_525 = arith.andi %bitcast3A_514, %broadcast_in_dim3A_42 : vector<16xi32>
        %bitcast3A_526 = vector.bitcast %and3A_525 : vector<16xi32> to vector<16xf32>
        %add3A_527 = arith.addf %bitcast3A_518, %bitcast3A_522 : vector<16xf32>
        %max3A_528 = arith.constant 0.000000e+00 : f32
        %max3A_529 = vector.broadcast %max3A_528 : f32 to vector<16xf32>
        %max3A_530 = arith.maximumf %add3A_527, %max3A_529 : vector<16xf32>
        %swap3A_531 = arith.index_cast %add3A_472 : i32 to index
        %swap3A_532 = arith.constant 32 : index
        %swap3A_533 = tpu.vector_load %arg13[%swap3A_531, %swap3A_532] {strides = array<i32>} : memref<80x64xf32, #tpu.memory_space<vmem>>, vector<16xf32>,
        tpu.vector_store %arg13[%swap3A_531, %swap3A_532], %max3A_530 {strides = array<i32>} : memref<80x64xf32, #tpu.memory_space<vmem>>, vector<16xf32>,
        %add3A_534 = arith.addf %bitcast3A_524, %bitcast3A_526 : vector<16xf32>
        %max3A_535 = arith.constant 0.000000e+00 : f32
        %max3A_536 = vector.broadcast %max3A_535 : f32 to vector<16xf32>
        %max3A_537 = arith.maximumf %add3A_534, %max3A_536 : vector<16xf32>
        %swap3A_538 = arith.index_cast %add3A_472 : i32 to index
        %swap3A_539 = arith.constant 48 : index
        %swap3A_540 = tpu.vector_load %arg13[%swap3A_538, %swap3A_539] {strides = array<i32>} : memref<80x64xf32, #tpu.memory_space<vmem>>, vector<16xf32>,
        tpu.vector_store %arg13[%swap3A_538, %swap3A_539], %max3A_537 {strides = array<i32>} : memref<80x64xf32, #tpu.memory_space<vmem>>, vector<16xf32>,
      }
      %scan3A_245 = arith.constant 80 : i32
      %dma_start3A_246 = arith.constant 0 : i32
      %dma_start3A_247 = tpu.memref_slice %arg7[%add3A_134, %dma_start3A_246] : memref<250x80xi32, #tpu.memory_space<vmem>> -> memref<1x80xi32, #tpu.memory_space<vmem>>
      %dma_start3A_248 = tpu.memref_squeeze %dma_start3A_247 : memref<1x80xi32, #tpu.memory_space<vmem>> -> memref<80xi32, #tpu.memory_space<vmem>>
      %dma_start3A_249 = arith.constant 0 : i32
      %dma_start3A_250 = arith.constant 0 : i32
      %dma_start3A_251 = tpu.memref_slice %arg14[%dma_start3A_249, %dma_start3A_250] : memref<10240x64xf32, #tpu.memory_space<vmem_shared>> -> memref<10240x64xf32, #tpu.memory_space<vmem_shared>>
      tpu.enqueue_indirect_dma source(%arg13 : memref<80x64xf32, #tpu.memory_space<vmem>>) target(%dma_start3A_251 : memref<10240x64xf32, #tpu.memory_space<vmem_shared>>) offsets(%dma_start3A_248 : memref<80xi32, #tpu.memory_space<vmem>>) semaphore(%arg20 : memref<!tpu.dma_semaphore, #tpu.memory_space<semaphore_mem>>) {add = true}
    }
    %scan3A_83 = arith.constant 125 : i32
    %dma_wait3A_84 = arith.constant 249 : i32
    %dma_wait3A_85 = arith.constant 0 : i32
    %dma_wait3A_86 = tpu.memref_slice %arg6[%dma_wait3A_84, %dma_wait3A_85] : memref<250x80xi32, #tpu.memory_space<vmem>> -> memref<1x80xi32, #tpu.memory_space<vmem>>
    %dma_wait3A_87 = tpu.memref_squeeze %dma_wait3A_86 : memref<1x80xi32, #tpu.memory_space<vmem>> -> memref<80xi32, #tpu.memory_space<vmem>>
    %dma_wait3A_88 = arith.constant 0 : i32
    %dma_wait3A_89 = arith.constant 0 : i32
    %dma_wait3A_90 = tpu.memref_slice %arg2[%arg0, %dma_wait3A_88, %dma_wait3A_89] : memref<2x20000x64xbf16, #tpu.memory_space<hbm>> -> memref<1x20000x64xbf16, #tpu.memory_space<hbm>>
    %dma_wait3A_91 = tpu.memref_squeeze %dma_wait3A_90 : memref<1x20000x64xbf16, #tpu.memory_space<hbm>> -> memref<20000x64xbf16, #tpu.memory_space<hbm>>
    %dma_wait3A_92 = arith.constant 0 : i32
    %dma_wait3A_93 = arith.constant 0 : i32
    %dma_wait3A_94 = tpu.memref_slice %dma_wait3A_91[%dma_wait3A_92, %dma_wait3A_93] : memref<20000x64xbf16, #tpu.memory_space<hbm>> -> memref<20000x64xbf16, #tpu.memory_space<hbm>>
    tpu.wait_indirect_dma semaphore(%arg15 : memref<!tpu.dma_semaphore, #tpu.memory_space<semaphore_mem>>) src(%dma_wait3A_94 : memref<20000x64xbf16, #tpu.memory_space<hbm>>) dst(%arg8 : memref<80x64xbf16, #tpu.memory_space<vmem>>)
    %dma_wait3A_95 = arith.constant 249 : i32
    %dma_wait3A_96 = arith.constant 0 : i32
    %dma_wait3A_97 = tpu.memref_slice %arg7[%dma_wait3A_95, %dma_wait3A_96] : memref<250x80xi32, #tpu.memory_space<vmem>> -> memref<1x80xi32, #tpu.memory_space<vmem>>
    %dma_wait3A_98 = tpu.memref_squeeze %dma_wait3A_97 : memref<1x80xi32, #tpu.memory_space<vmem>> -> memref<80xi32, #tpu.memory_space<vmem>>
    %dma_wait3A_99 = arith.constant 0 : i32
    %dma_wait3A_100 = arith.constant 0 : i32
    %dma_wait3A_101 = tpu.memref_slice %arg2[%arg0, %dma_wait3A_99, %dma_wait3A_100] : memref<2x20000x64xbf16, #tpu.memory_space<hbm>> -> memref<1x20000x64xbf16, #tpu.memory_space<hbm>>
    %dma_wait3A_102 = tpu.memref_squeeze %dma_wait3A_101 : memref<1x20000x64xbf16, #tpu.memory_space<hbm>> -> memref<20000x64xbf16, #tpu.memory_space<hbm>>
    %dma_wait3A_103 = arith.constant 0 : i32
    %dma_wait3A_104 = arith.constant 0 : i32
    %dma_wait3A_105 = tpu.memref_slice %dma_wait3A_102[%dma_wait3A_103, %dma_wait3A_104] : memref<20000x64xbf16, #tpu.memory_space<hbm>> -> memref<20000x64xbf16, #tpu.memory_space<hbm>>
    tpu.wait_indirect_dma semaphore(%arg16 : memref<!tpu.dma_semaphore, #tpu.memory_space<semaphore_mem>>) src(%dma_wait3A_105 : memref<20000x64xbf16, #tpu.memory_space<hbm>>) dst(%arg9 : memref<80x64xbf16, #tpu.memory_space<vmem>>)
    %dma_wait3A_106 = arith.constant 0 : i32
    %dma_wait3A_107 = arith.constant 0 : i32
    %dma_wait3A_108 = tpu.memref_slice %arg7[%dma_wait3A_106, %dma_wait3A_107] : memref<250x80xi32, #tpu.memory_space<vmem>> -> memref<1x80xi32, #tpu.memory_space<vmem>>
    %dma_wait3A_109 = tpu.memref_squeeze %dma_wait3A_108 : memref<1x80xi32, #tpu.memory_space<vmem>> -> memref<80xi32, #tpu.memory_space<vmem>>
    %dma_wait3A_110 = arith.constant 0 : i32
    %dma_wait3A_111 = arith.constant 0 : i32
    %dma_wait3A_112 = tpu.memref_slice %arg14[%dma_wait3A_110, %dma_wait3A_111] : memref<10240x64xf32, #tpu.memory_space<vmem_shared>> -> memref<10240x64xf32, #tpu.memory_space<vmem_shared>>
    tpu.wait_indirect_dma semaphore(%arg19 : memref<!tpu.dma_semaphore, #tpu.memory_space<semaphore_mem>>) src(%arg12 : memref<80x64xf32, #tpu.memory_space<vmem>>) dst(%dma_wait3A_112 : memref<10240x64xf32, #tpu.memory_space<vmem_shared>>)
    %dma_wait3A_113 = arith.constant 0 : i32
    %dma_wait3A_114 = arith.constant 0 : i32
    %dma_wait3A_115 = tpu.memref_slice %arg7[%dma_wait3A_113, %dma_wait3A_114] : memref<250x80xi32, #tpu.memory_space<vmem>> -> memref<1x80xi32, #tpu.memory_space<vmem>>
    %dma_wait3A_116 = tpu.memref_squeeze %dma_wait3A_115 : memref<1x80xi32, #tpu.memory_space<vmem>> -> memref<80xi32, #tpu.memory_space<vmem>>
    %dma_wait3A_117 = arith.constant 0 : i32
    %dma_wait3A_118 = arith.constant 0 : i32
    %dma_wait3A_119 = tpu.memref_slice %arg14[%dma_wait3A_117, %dma_wait3A_118] : memref<10240x64xf32, #tpu.memory_space<vmem_shared>> -> memref<10240x64xf32, #tpu.memory_space<vmem_shared>>
    tpu.wait_indirect_dma semaphore(%arg20 : memref<!tpu.dma_semaphore, #tpu.memory_space<semaphore_mem>>) src(%arg13 : memref<80x64xf32, #tpu.memory_space<vmem>>) dst(%dma_wait3A_119 : memref<10240x64xf32, #tpu.memory_space<vmem_shared>>)
    %barrier3A_120 = arith.constant 0 : index
    tpu.barrier barrier_id(%barrier3A_120)
    %lt3A = arith.constant 15 : i32
    %lt3A_121 = arith.cmpi slt, %arg1, %lt3A : i32
    %convert_element_type3A = arith.extui %lt3A_121 : i1 to i32
    %cond3A = arith.constant 0 : i32
    %cond3A_122 = arith.cmpi ne, %convert_element_type3A, %cond3A : i32
    scf.if %cond3A_122 {
      "tpu.region"() ({
        %run_scoped3A = tpu.sem_alloc : memref<!tpu.dma_semaphore, #tpu.memory_space<semaphore_mem>>
        %dma_start3A_127 = arith.constant 0 : i32
        %dma_start3A_128 = tpu.memref_slice %arg5[%mul3A_20, %arg0, %dma_start3A_127] : memref<10000x2x64xf32, #tpu.memory_space<hbm>> -> memref<640x1x64xf32, #tpu.memory_space<hbm>>
        %dma_start3A_129 = tpu.memref_squeeze %dma_start3A_128 : memref<640x1x64xf32, #tpu.memory_space<hbm>> -> memref<640x64xf32, #tpu.memory_space<hbm>>
        %dma_start3A_130 = arith.constant 0 : i32
        %dma_start3A_131 = tpu.memref_slice %arg14[%mul3A_20, %dma_start3A_130] : memref<10240x64xf32, #tpu.memory_space<vmem_shared>> -> memref<640x64xf32, #tpu.memory_space<vmem_shared>>
        tpu.enqueue_dma source(%dma_start3A_131 : memref<640x64xf32, #tpu.memory_space<vmem_shared>>) target(%dma_start3A_129 : memref<640x64xf32, #tpu.memory_space<hbm>>) target_semaphore(%run_scoped3A : memref<!tpu.dma_semaphore, #tpu.memory_space<semaphore_mem>>)
        %dma_wait3A_132 = arith.constant 0 : i32
        %dma_wait3A_133 = tpu.memref_slice %arg5[%mul3A_20, %arg0, %dma_wait3A_132] : memref<10000x2x64xf32, #tpu.memory_space<hbm>> -> memref<640x1x64xf32, #tpu.memory_space<hbm>>
        %dma_wait3A_134 = tpu.memref_squeeze %dma_wait3A_133 : memref<640x1x64xf32, #tpu.memory_space<hbm>> -> memref<640x64xf32, #tpu.memory_space<hbm>>
        %dma_wait3A_135 = arith.constant 0 : i32
        %dma_wait3A_136 = tpu.memref_slice %arg14[%mul3A_20, %dma_wait3A_135] : memref<10240x64xf32, #tpu.memory_space<vmem_shared>> -> memref<640x64xf32, #tpu.memory_space<vmem_shared>>
        tpu.wait_dma2 semaphore(%run_scoped3A : memref<!tpu.dma_semaphore, #tpu.memory_space<semaphore_mem>>) src(%dma_wait3A_136 : memref<640x64xf32, #tpu.memory_space<vmem_shared>>) dst(%dma_wait3A_134 : memref<640x64xf32, #tpu.memory_space<hbm>>)
        tpu.yield
      }) : () -> ()
    } else {
    }
    %eq3A = arith.constant 15 : i32
    %eq3A_123 = arith.cmpi eq, %arg1, %eq3A : i32
    %convert_element_type3A_124 = arith.extui %eq3A_123 : i1 to i32
    %cond3A_125 = arith.constant 0 : i32
    %cond3A_126 = arith.cmpi ne, %convert_element_type3A_124, %cond3A_125 : i32
    scf.if %cond3A_126 {
      "tpu.region"() ({
        %run_scoped3A = tpu.sem_alloc : memref<!tpu.dma_semaphore, #tpu.memory_space<semaphore_mem>>
        %dma_start3A_127 = arith.constant 0 : i32
        %dma_start3A_128 = tpu.memref_slice %arg5[%mul3A_20, %arg0, %dma_start3A_127] : memref<10000x2x64xf32, #tpu.memory_space<hbm>> -> memref<400x1x64xf32, #tpu.memory_space<hbm>>
        %dma_start3A_129 = tpu.memref_squeeze %dma_start3A_128 : memref<400x1x64xf32, #tpu.memory_space<hbm>> -> memref<400x64xf32, #tpu.memory_space<hbm>>
        %dma_start3A_130 = arith.constant 0 : i32
        %dma_start3A_131 = tpu.memref_slice %arg14[%mul3A_20, %dma_start3A_130] : memref<10240x64xf32, #tpu.memory_space<vmem_shared>> -> memref<400x64xf32, #tpu.memory_space<vmem_shared>>
        tpu.enqueue_dma source(%dma_start3A_131 : memref<400x64xf32, #tpu.memory_space<vmem_shared>>) target(%dma_start3A_129 : memref<400x64xf32, #tpu.memory_space<hbm>>) target_semaphore(%run_scoped3A : memref<!tpu.dma_semaphore, #tpu.memory_space<semaphore_mem>>)
        %dma_wait3A_132 = arith.constant 0 : i32
        %dma_wait3A_133 = tpu.memref_slice %arg5[%mul3A_20, %arg0, %dma_wait3A_132] : memref<10000x2x64xf32, #tpu.memory_space<hbm>> -> memref<400x1x64xf32, #tpu.memory_space<hbm>>
        %dma_wait3A_134 = tpu.memref_squeeze %dma_wait3A_133 : memref<400x1x64xf32, #tpu.memory_space<hbm>> -> memref<400x64xf32, #tpu.memory_space<hbm>>
        %dma_wait3A_135 = arith.constant 0 : i32
        %dma_wait3A_136 = tpu.memref_slice %arg14[%mul3A_20, %dma_wait3A_135] : memref<10240x64xf32, #tpu.memory_space<vmem_shared>> -> memref<400x64xf32, #tpu.memory_space<vmem_shared>>
        tpu.wait_dma2 semaphore(%run_scoped3A : memref<!tpu.dma_semaphore, #tpu.memory_space<semaphore_mem>>) src(%dma_wait3A_136 : memref<400x64xf32, #tpu.memory_space<vmem_shared>>) dst(%dma_wait3A_134 : memref<400x64xf32, #tpu.memory_space<hbm>>)
        tpu.yield
      }) : () -> ()
    } else {
    }
    return
  }
}

module attributes {stable_mosaic.version = 14 : i64} {
  func.func @_mm_body(%arg0: i32, %arg1: memref<400x128xf32, #tpu.memory_space<vmem>>, %arg2: memref<128x128xf32, #tpu.memory_space<vmem>>, %arg3: memref<128x128xf32, #tpu.memory_space<vmem>>, %arg4: memref<1x128xf32, #tpu.memory_space<vmem>>, %arg5: memref<2x2x400x64xbf16, #tpu.memory_space<vmem>>) attributes {dimension_semantics = [#tpu.dimension_semantics<arbitrary>], iteration_bounds = array<i64: 25>, scalar_prefetch = 0 : i64, scratch_operands = 0 : i64, tpu.core_type = #tpu.core_type<tc>, window_params = [{transform_indices = @transform_0, window_bounds = array<i64: 400, 128>}, {pipeline_mode = #tpu.pipeline_mode<synchronous>, transform_indices = @transform_1, window_bounds = array<i64: 128, 128>}, {pipeline_mode = #tpu.pipeline_mode<synchronous>, transform_indices = @transform_2, window_bounds = array<i64: 128, 128>}, {pipeline_mode = #tpu.pipeline_mode<synchronous>, transform_indices = @transform_3, window_bounds = array<i64: 1, 128>}, {transform_indices = @transform_4, window_bounds = array<i64: 2, 2, 400, 64>}]} {
    %get3A = arith.constant 0 : index
    %get3A_0 = arith.constant 0 : index
    %get3A_1 = vector.load %arg1[%get3A, %get3A_0] : memref<400x128xf32, #tpu.memory_space<vmem>>, vector<400x128xf32>
    %get3A_2 = arith.constant 0 : index
    %get3A_3 = arith.constant 0 : index
    %get3A_4 = vector.load %arg2[%get3A_2, %get3A_3] : memref<128x128xf32, #tpu.memory_space<vmem>>, vector<128x128xf32>
    %dot_general3A = arith.constant dense<0.000000e+00> : vector<400x128xf32>
    %dot_general3A_5 = tpu.matmul %get3A_1, %get3A_4, %dot_general3A {dimension_numbers = #tpu.dot_dimension_numbers<[1], [0], [0], [1], [0, 0, 1, 1], [], []>, transpose_lhs_hint = false} : vector<400x128xf32>, vector<128x128xf32>, vector<400x128xf32> -> vector<400x128xf32>
    %get3A_6 = arith.constant 0 : index
    %get3A_7 = arith.constant 0 : index
    %get3A_8 = vector.load %arg4[%get3A_6, %get3A_7] : memref<1x128xf32, #tpu.memory_space<vmem>>, vector<1x128xf32>
    %add3A = vector.broadcast %get3A_8 : vector<1x128xf32> to vector<400x128xf32>
    %add3A_9 = arith.addf %dot_general3A_5, %add3A : vector<400x128xf32>
    %get3A_10 = arith.constant 0 : index
    %get3A_11 = arith.constant 0 : index
    %get3A_12 = vector.load %arg3[%get3A_10, %get3A_11] : memref<128x128xf32, #tpu.memory_space<vmem>>, vector<128x128xf32>
    %dot_general3A_13 = arith.constant dense<0.000000e+00> : vector<400x128xf32>
    %dot_general3A_14 = tpu.matmul %get3A_1, %get3A_12, %dot_general3A_13 {dimension_numbers = #tpu.dot_dimension_numbers<[1], [0], [0], [1], [0, 0, 1, 1], [], []>, transpose_lhs_hint = false} : vector<400x128xf32>, vector<128x128xf32>, vector<400x128xf32> -> vector<400x128xf32>
    %slice3A = vector.extract_strided_slice %dot_general3A_14 {offsets = [0, 0], sizes = [400, 64], strides = [1, 1]} : vector<400x128xf32> to vector<400x64xf32>
    %convert_element_type3A = arith.truncf %slice3A : vector<400x64xf32> to vector<400x64xbf16>
    %swap3A = arith.constant 0 : index
    %swap3A_15 = arith.constant 0 : index
    %swap3A_16 = arith.constant 0 : index
    %swap3A_17 = arith.constant 0 : index
    %swap3A_18 = vector.load %arg5[%swap3A, %swap3A_15, %swap3A_16, %swap3A_17] : memref<2x2x400x64xbf16, #tpu.memory_space<vmem>>, vector<1x1x400x64xbf16>
    %swap3A_19 = vector.shape_cast %swap3A_18 : vector<1x1x400x64xbf16> to vector<400x64xbf16>
    %swap3A_20 = vector.shape_cast %convert_element_type3A : vector<400x64xbf16> to vector<1x1x400x64xbf16>
    tpu.vector_store %arg5[%swap3A, %swap3A_15, %swap3A_16, %swap3A_17], %swap3A_20 {strides = array<i32>} : memref<2x2x400x64xbf16, #tpu.memory_space<vmem>>, vector<1x1x400x64xbf16>,
    %slice3A_21 = vector.extract_strided_slice %add3A_9 {offsets = [0, 0], sizes = [400, 64], strides = [1, 1]} : vector<400x128xf32> to vector<400x64xf32>
    %convert_element_type3A_22 = arith.truncf %slice3A_21 : vector<400x64xf32> to vector<400x64xbf16>
    %swap3A_23 = arith.constant 0 : index
    %swap3A_24 = arith.constant 1 : index
    %swap3A_25 = arith.constant 0 : index
    %swap3A_26 = arith.constant 0 : index
    %swap3A_27 = vector.load %arg5[%swap3A_23, %swap3A_24, %swap3A_25, %swap3A_26] : memref<2x2x400x64xbf16, #tpu.memory_space<vmem>>, vector<1x1x400x64xbf16>
    %swap3A_28 = vector.shape_cast %swap3A_27 : vector<1x1x400x64xbf16> to vector<400x64xbf16>
    %swap3A_29 = vector.shape_cast %convert_element_type3A_22 : vector<400x64xbf16> to vector<1x1x400x64xbf16>
    tpu.vector_store %arg5[%swap3A_23, %swap3A_24, %swap3A_25, %swap3A_26], %swap3A_29 {strides = array<i32>} : memref<2x2x400x64xbf16, #tpu.memory_space<vmem>>, vector<1x1x400x64xbf16>,
    %slice3A_30 = vector.extract_strided_slice %dot_general3A_14 {offsets = [0, 64], sizes = [400, 64], strides = [1, 1]} : vector<400x128xf32> to vector<400x64xf32>
    %convert_element_type3A_31 = arith.truncf %slice3A_30 : vector<400x64xf32> to vector<400x64xbf16>
    %swap3A_32 = arith.constant 1 : index
    %swap3A_33 = arith.constant 0 : index
    %swap3A_34 = arith.constant 0 : index
    %swap3A_35 = arith.constant 0 : index
    %swap3A_36 = vector.load %arg5[%swap3A_32, %swap3A_33, %swap3A_34, %swap3A_35] : memref<2x2x400x64xbf16, #tpu.memory_space<vmem>>, vector<1x1x400x64xbf16>
    %swap3A_37 = vector.shape_cast %swap3A_36 : vector<1x1x400x64xbf16> to vector<400x64xbf16>
    %swap3A_38 = vector.shape_cast %convert_element_type3A_31 : vector<400x64xbf16> to vector<1x1x400x64xbf16>
    tpu.vector_store %arg5[%swap3A_32, %swap3A_33, %swap3A_34, %swap3A_35], %swap3A_38 {strides = array<i32>} : memref<2x2x400x64xbf16, #tpu.memory_space<vmem>>, vector<1x1x400x64xbf16>,
    %slice3A_39 = vector.extract_strided_slice %add3A_9 {offsets = [0, 64], sizes = [400, 64], strides = [1, 1]} : vector<400x128xf32> to vector<400x64xf32>
    %convert_element_type3A_40 = arith.truncf %slice3A_39 : vector<400x64xf32> to vector<400x64xbf16>
    %swap3A_41 = arith.constant 1 : index
    %swap3A_42 = arith.constant 1 : index
    %swap3A_43 = arith.constant 0 : index
    %swap3A_44 = arith.constant 0 : index
    %swap3A_45 = vector.load %arg5[%swap3A_41, %swap3A_42, %swap3A_43, %swap3A_44] : memref<2x2x400x64xbf16, #tpu.memory_space<vmem>>, vector<1x1x400x64xbf16>
    %swap3A_46 = vector.shape_cast %swap3A_45 : vector<1x1x400x64xbf16> to vector<400x64xbf16>
    %swap3A_47 = vector.shape_cast %convert_element_type3A_40 : vector<400x64xbf16> to vector<1x1x400x64xbf16>
    tpu.vector_store %arg5[%swap3A_41, %swap3A_42, %swap3A_43, %swap3A_44], %swap3A_47 {strides = array<i32>} : memref<2x2x400x64xbf16, #tpu.memory_space<vmem>>, vector<1x1x400x64xbf16>,
    return
  }
  func.func @transform_0(%arg0: i32) -> (i32, i32) {
    %c0_i32 = arith.constant 0 : i32
    %c0_i32_0 = arith.constant 0 : i32
    return %arg0, %c0_i32 : i32, i32
  }
  func.func @transform_1(%arg0: i32) -> (i32, i32) {
    %c0_i32 = arith.constant 0 : i32
    %c0_i32_0 = arith.constant 0 : i32
    %c0_i32_1 = arith.constant 0 : i32
    return %c0_i32, %c0_i32_0 : i32, i32
  }
  func.func @transform_2(%arg0: i32) -> (i32, i32) {
    %c0_i32 = arith.constant 0 : i32
    %c0_i32_0 = arith.constant 0 : i32
    %c0_i32_1 = arith.constant 0 : i32
    return %c0_i32, %c0_i32_0 : i32, i32
  }
  func.func @transform_3(%arg0: i32) -> (i32, i32) {
    %c0_i32 = arith.constant 0 : i32
    %c0_i32_0 = arith.constant 0 : i32
    %c0_i32_1 = arith.constant 0 : i32
    return %c0_i32, %c0_i32_0 : i32, i32
  }
  func.func @transform_4(%arg0: i32) -> (i32, i32, i32, i32) {
    %c0_i32 = arith.constant 0 : i32
    %c0_i32_0 = arith.constant 0 : i32
    %c0_i32_1 = arith.constant 0 : i32
    %c0_i32_2 = arith.constant 0 : i32
    return %c0_i32, %c0_i32_0, %arg0, %c0_i32_1 : i32, i32, i32, i32
  }
}

</mosaic_0001>

<sc_bundles>
// kernel: kernel.4.cloned.1.call-start
scs
__scs_entry_jumppad:
0x0: {  	(pc) =	sbr.rel $0x88, $3  }
0x1: {  	(tag) =	ssettag $0x0;
	lr =	simm.s32 $0x1  }
0x2: {  	[smem:$0x3F9D] =	sst lr;
	_ =	strace $0xD0000000  }
0x3: {  	_ = 	snop  }
0x4: {  	_ = 	snop  }
0x5: {  	_ = 	snop  }
0x6: {  	_ = 	snop  }
0x7: {  	_ = 	snop  }
__scs_overlays_trampoline_lowered:
0x8: {  	[smem:$0x3FAC] =	sst s0  }
0x9: {  	[smem:$0x3FAD] =	sst s1  }
0xa: {  	[smem:$0x3FAE] =	sst s2  }
0xb: {  	[smem:$0x3FAF] =	sst s3  }
0xc: {  	[smem:$0x3FB0] =	sst s4  }
0xd: {  	[smem:$0x3FB1] =	sst s5  }
0xe: {  	[smem:$0x3FB2] =	sst s6  }
0xf: {  	[smem:$0x3FB3] =	sst s7  }
0x10: {  	[smem:$0x3FB4] =	sst s8  }
0x11: {  	[smem:$0x3FB5] =	sst s9;
	s0 =	simm.s32 @!p0 $0x0  }
0x12: {  	s1 =	sld [smem:$0x3F9B];
	s0 =	simm.s32 @p0 $0x1  }
0x13: {  	[smem:$0x3FB6] =	sst s0;
	s0 =	simm.s32 @!p1 $0x0  }
0x14: {  	s2 =	sld [smem:$0x3F9A];
	s0 =	simm.s32 @p1 $0x1  }
0x15: {  	[smem:$0x3FB7] =	sst s0;
	s0 =	simm.s32 @!p2 $0x0  }
0x16: {  	s3 =	sld [smem:$0x3FDB];
	s0 =	simm.s32 @p2 $0x1  }
0x17: {  	s4 =	simm.s32 $0x1BF5;
	[smem:$0x3FB9] =	sst s0  }
0x18: {  	s0 =	sld [smem:$0x3F9C];
	_ =	swait.ge [sflag:s4], $0x0  }
0x19: {  	s7 =	sld [smem:$0x3F9D]  }
0x1a: {  	s8 =	sadd.s32 $0xFFFFE003, lr  }
0x1b: {  	s9 =	sadd.s32 $0xFFFFFEF7, lr;
	s5 =	simm.s32 $0xFFFFFFFF;
	p2 =	slt.u32 s8, $0xFFFFF086  }
0x1c: {  	p1 =	slt.u32 s9, $0xF7A;
	s5 =	simm.s32 @!p2 $0x0  }
0x1d: {  	s5 =	simm.s32 @p1 $0x1;
	p0 =	seq.s32 s7, s2  }
0x1e: {  	s7 =	smul.u32 @!p0 $0xF7A, s2;
	p2 =	seq.s32 @!p0 s5, $0x0  }
0x1f: {  	s9 =	smul.u32 $0xF7A, s1;
	s8 =	simm.s32 @!p0 $0x1BF5;
	p2 =	por !p2, p0  }
0x20: {  	[sflag:s8] =	ssyncset.s32 @!p0 $0xFFFFF086;
	s6 =	sadd.s32 @!p0 s3, s7;
	s7 =	simm.s32 @!p0 $0x108  }
0x21: {  	s3 =	sadd.s32 s3, s9;
	s6 =	sadd.s32 @!p0 $0x88, s6;
	s7 =	simm.s32 @p2 $0x1082  }
0x22: {  	[simem:s7], [sflag:s8] =	dma.local @!p0 [hbm:s6], $0xF7A  }
0x23: {  	s9 =	sor.u32 $0xD0000000, s2;
	s6 =	simm.s32 $0x108;
	_ =	swait.ge @!p0 [sflag:s8], $0x0  }
0x24: {  	s3 =	sadd.s32 $0x88, s3;
	s6 =	simm.s32 @!p1 $0x1082;
	[sflag:s4] =	ssyncset.s32 $0xFFFFF086  }
0x25: {  	[simem:s6], [sflag:s4] =	dma.local [hbm:s3], $0xF7A  }
0x26: {  	[smem:$0x3F9D] =	sst s1;
	(tag) =	ssettag s2;
	_ =	strace s9  }
0x27: {  	s1 =	sld [smem:$0x3FAD]  }
0x28: {  	s2 =	sld [smem:$0x3FAE]  }
0x29: {  	s4 =	sld [smem:$0x3FB0]  }
0x2a: {  	p0 =	seq.s32 s5, $0x0;
	s5 =	sld [smem:$0x3FB1]  }
0x2b: {  	s6 =	sld [smem:$0x3FB2]  }
0x2c: {  	s7 =	sld [smem:$0x3FB3]  }
0x2d: {  	s3 =	simm.s32 $0x108;
	s8 =	sld [smem:$0x3FB4]  }
0x2e: {  	s3 =	simm.s32 @!p0 $0x1082;
	s9 =	sld [smem:$0x3FB5]  }
0x2f: {  	lr =	sadd.s32 s0, s3;
	s0 =	sld [smem:$0x3FAC]  }
0x30: {  	s3 =	sld [smem:$0x3FAF]  }
0x31: {  	[smem:$0x3FB8] =	sst s10  }
0x32: {  	s10 =	sld [smem:$0x3FB6];
	_ =	sdelay $0x3  }
0x33: {  	p0 =	seq.s32 s10, $0x1;
	s10 =	sld [smem:$0x3FB8];
	_ =	sdelay $0x3  }
0x34: {  	[smem:$0x3FB8] =	sst s10  }
0x35: {  	s10 =	sld [smem:$0x3FB7];
	_ =	sdelay $0x3  }
0x36: {  	p1 =	seq.s32 s10, $0x1;
	s10 =	sld [smem:$0x3FB8];
	_ =	sdelay $0x3  }
0x37: {  	[smem:$0x3FB8] =	sst s10  }
0x38: {  	s10 =	sld [smem:$0x3FB9]  }
0x39: {  	_ = 	snop;
	(pc) =	sbr.ind lr, $3  }
0x3a: {  	_ = 	snop  }
0x3b: {  	_ = 	snop  }
0x3c: {  	p2 =	seq.s32 s10, $0x1;
	s10 =	sld [smem:$0x3FB8]  }
0x3d: {  	_ =	shalt  }
0x3e: {  	_ =	shalt  }
0x3f: {  	_ =	shalt  }
0x40: {  	_ =	shalt  }
0x41: {  	_ =	shalt  }
0x42: {  	_ =	shalt  }
0x43: {  	_ =	shalt  }
0x44: {  	_ =	shalt  }
0x45: {  	_ =	shalt  }
0x46: {  	_ =	shalt  }
0x47: {  	_ =	shalt  }
0x48: {  	_ =	shalt  }
0x49: {  	_ =	shalt  }
0x4a: {  	_ =	shalt  }
0x4b: {  	_ =	shalt  }
0x4c: {  	_ =	shalt  }
0x4d: {  	_ =	shalt  }
0x4e: {  	_ =	shalt  }
0x4f: {  	_ =	shalt  }
0x50: {  	_ =	shalt  }
0x51: {  	_ =	shalt  }
0x52: {  	_ =	shalt  }
0x53: {  	_ =	shalt  }
0x54: {  	_ =	shalt  }
0x55: {  	_ =	shalt  }
0x56: {  	_ =	shalt  }
0x57: {  	_ =	shalt  }
0x58: {  	_ =	shalt  }
0x59: {  	_ =	shalt  }
0x5a: {  	_ =	shalt  }
0x5b: {  	_ =	shalt  }
0x5c: {  	_ =	shalt  }
0x5d: {  	_ =	shalt  }
0x5e: {  	_ =	shalt  }
0x5f: {  	_ =	shalt  }
0x60: {  	_ =	shalt  }
0x61: {  	_ =	shalt  }
0x62: {  	_ =	shalt  }
0x63: {  	_ =	shalt  }
0x64: {  	_ =	shalt  }
0x65: {  	_ =	shalt  }
0x66: {  	_ =	shalt  }
0x67: {  	_ =	shalt  }
0x68: {  	_ =	shalt  }
0x69: {  	_ =	shalt  }
0x6a: {  	_ =	shalt  }
0x6b: {  	_ =	shalt  }
0x6c: {  	_ =	shalt  }
0x6d: {  	_ =	shalt  }
0x6e: {  	_ =	shalt  }
0x6f: {  	_ =	shalt  }
0x70: {  	_ =	shalt  }
0x71: {  	_ =	shalt  }
0x72: {  	_ =	shalt  }
0x73: {  	_ =	shalt  }
0x74: {  	_ =	shalt  }
0x75: {  	_ =	shalt  }
0x76: {  	_ =	shalt  }
0x77: {  	_ =	shalt  }
0x78: {  	_ =	shalt  }
0x79: {  	_ =	shalt  }
0x7a: {  	_ =	shalt  }
0x7b: {  	_ =	shalt  }
0x7c: {  	_ =	shalt  }
0x7d: {  	_ =	shalt  }
0x7e: {  	_ =	shalt  }
0x7f: {  	_ =	shalt  }
0x80: {  	_ =	shalt  }
0x81: {  	_ =	shalt  }
0x82: {  	_ =	shalt  }
0x83: {  	_ =	shalt  }
0x84: {  	_ =	shalt  }
0x85: {  	_ =	shalt  }
0x86: {  	_ =	shalt  }
0x87: {  	_ =	shalt  }
.Lfunc_end0:
.L_simem_size_0:
called_computation_lowered:
.L_overlay_start_0:
0x88: {  	s2 =	sld [smem:$0x3FD9]  }
0x89: {  	s3 =	sld [smem:$0x3FFE];
	_ =	sdelay $0x1  }
0x8a: {  	s1 =	srdreg.scid  }
0x8b: {  	s0 =	sand.u32 $0x1, s1  }
0x8c: {  	s17 =	sshll.u32 s0, $0xA;
	s2 =	sadd.s32 s3, s2  }
0x8d: {  	s2 =	sadd.s32 s2, s17  }
0x8e: {  	[smem:$0x3FC4] =	sst s2  }
0x8f: {  	_ = 	snop  }
0x90: {  	s2 =	sld [smem:$0x3FD0];
	(tm) =	ssettm $0x1  }
0x91: {  	s18 =	sld [smem:$0x3FFB];
	_ =	sdelay $0x3  }
0x92: {  	_ =	strace s18  }
0x93: {  	s3 =	sld [smem:$0x3FFC];
	_ =	sdelay $0x3  }
0x94: {  	_ =	strace s3  }
0x95: {  	s3 =	sld [smem:$0x3FFD];
	_ =	sdelay $0x3  }
0x96: {  	_ =	strace s3  }
0x97: {  	_ =	strace $0x8FFFFFFF  }
0x98: {  	s19 =	sld [smem:$0x3FDB];
	_ =	sdelay $0x1  }
0x99: {  	s4 =	simm.s32 $_scs_section_size  }
0x9a: {  	s5 =	simm.s32 $_size__tile_overlayer_lowered;
	s6 =	simm.s32 $_tile_overlayer_lowered  }
0x9b: {  	s22 =	simm.s32 $0x1BFF;
	s21 =	sshll.u32 s6, $0x1;
	s3 =	sadd.s32 s4, s19  }
0x9c: {  	s7 =	simm.s32 $0x0;
	s20 =	sshll.u32 s5, $0x1;
	s5 =	sadd.s32 s21, s3  }
0x9d: {  	[timem:s7], [sflag:s22] =	dma.local [hbm:s5], s20  }
0x9e: {  	_ =	swait.ge [sflag:s22], s20  }
0x9f: {  	s4 =	ssub.s32 $0x0, s20;
	[sflag:s22] =	ssyncset.done $0x0  }
0xa0: {  	[sflag:s22] =	ssyncadd.s32 s4;
	_ =	sdelay $0x1  }
0xa1: {  	s23 =	simm.s32 $0x1B8B  }
0xa2: {  	_ =	swait.ge [sflag:s23], $0x1  }
0xa3: {  	[sflag:s23] =	ssyncset.done $0x0  }
0xa4: {  	s25 =	simm.s32 $0x1B8E;
	s24 =	sld [smem:$0x3FFE];
	[sflag:s23] =	ssyncadd.s32 $0xFFFFFFFF  }
0xa5: {  	s26 =	simm.s32 $execute0_lowered;
	[smem:$0x3FD2] =	sst s25  }
0xa6: {  	s5 =	sshll.u32 s26, $0x1;
	_ =	strace $0x80000046;
	[dreg:$0x1] =	wrdreg $0xFFFFFFFF  }
0xa7: {  	s28 =	simm.s32 $_size_execute0_lowered;
	s3 =	sadd.s32 s3, s5;
	[dreg:$0x0] =	wrdreg $0x0  }
0xa8: {  	s5 =	sshll.u32 s28, $0x1;
	[dreg:$0x2] =	wrdreg s3  }
0xa9: {  	[dreg:$0x3] =	wrdreg s5  }
0xaa: {  	[dreg:$0x4] =	wrdreg $0xC0  }
0xab: {  	_ =	task [dreg:s7], $0x5FFFF  }
0xac: {  	[dreg:$0x1] =	wrdreg $0xFFFFFFFF  }
0xad: {  	[dreg:$0x0] =	wrdreg $0x60  }
0xae: {  	[dreg:$0x2] =	wrdreg s2  }
0xaf: {  	[dreg:$0x3] =	wrdreg s24  }
0xb0: {  	[dreg:$0x4] =	wrdreg $0xEC400  }
0xb1: {  	[dreg:$0x5] =	wrdreg $0x9  }
0xb2: {  	_ =	task.clear_ibuf [dreg:s7], $0x6FFFF;
	_ =	strace $0x90000046  }
0xb3: {  	s29 =	simm.s32 $0x9;
	_ =	strace $0x80000048  }
0xb4: {  	_ =	swait.ge [sflag:s29], $0x1  }
0xb5: {  	[sflag:s29] =	ssyncadd.s32 $0xFFFFFFFF  }
0xb6: {  	_ =	strace $0x90000048  }
0xb7: {  	_ =	sfence  }
0xb8: {  	s30 =	sld [smem:$0x0];
	_ =	sdelay $0x2  }
0xb9: {  	s31 =	sshll.u32 s1, $0xD;
	s1 =	sshrl.u32 s1, $0x2  }
0xba: {  	s3 =	sand.u32 $0x4000, s31;
	s1 =	sadd.s32 s1, s30  }
0xbb: {  	s0 =	sor.u32 s3, s0;
	s1 =	sshll.u32 s1, $0x11  }
0xbc: {  	s0 =	sor.u32 s1, s0  }
0xbd: {  	s0 =	sadd.s32 $0x8F2B, s0  }
0xbe: {  	[sflag:s0] =	ssyncadd.remote.s32 $0x1  }
0xbf: {  	_ =	sfence.sel $0xFFFF  }
0xc0: {  	[dreg:$0x0] =	wrdreg $0xFFFFFFFF;
	(pc) =	sbr.abs _section_cstart, $3  }
0xc1: {  	[dreg:$0x1] =	wrdreg $0xFFFFFFFF  }
0xc2: {  	_ =	task.clear_ibuf [dreg:s7], $0x2FFFF;
	_ =	strace $0x9FFFFFFF  }
0xc3: {  	(tm) =	ssettm $0x7FFFFFFF  }
tec
execute0_lowered:
.L_overlay_start_1:
0x0: {  	(tag) =	ssettag $0x1  }
0x1: {  	s0 =	rddreg [dreg:$0x0]  }
0x2: {  	s1 =	rddreg [dreg:$0x1]  }
0x3: {  	s2 =	rddreg [dreg:$0x2];
	s10 =	stileid.u32  }
0x4: {  	s5 =	simm.s32 $0x0;
	s4 =	srdreg.scid;
	s28 =	simm.s32 $0xD840  }
0x5: {  	s29 =	simm.s32 $0xB040;
	s30 =	simm.s32 $0xBA40;
	s3 =	smul.u32 $0x9C4, s10  }
0x6: {  	s31 =	simm.s32 $0x5;
	[smem:$0x7FF] =	sst s5;
	s8 =	smul.u32 $0x14000, s10  }
0x7: {  	s4 =	sand.u32 $0x1, s4;
	s9 =	smul.u32 $0x28000, s10;
	p0 =	seq.s32 s10, $0xF  }
0x8: {  	_ =	strace $0x80000047;
	s14 =	ssub.s32 $0x2, s4;
	s7 =	smul.u32 $0x13880, s4  }
0x9: {  	s16 =	sshll.u32 s4, $0x6;
	s18 =	sshll.u32 s4, $0x3;
	s4 =	simm.s32 $0x0  }
0xa: {  	s3 =	sadd.s32 s3, s1;
	s1 =	sadd.s32 $0x14000, s1;
	s6 =	sshrl.u32 s14, $0x1  }
0xb: {  	s17 =	sor.u32 s16, s8;
	s19 =	sshrl.u32 s9, $0x2;
	s5 =	ssub.s32 s14, s6  }
0xc: {  	s15 =	sadd.s32 $0xA200, s3;
	s3 =	sadd.s32 $0x400, s3;
	s6 =	sadd.s32 s0, s7  }
0xd: {  	s0 =	sshrl.u32 s17, $0x3;
	s8 =	sadd.s32 s19, s2;
	[dreg:$0x4] =	wrdreg s15  }
0xe: {  	s19 =	simm.s32 $0xC440;
	[dreg:$0x5] =	wrdreg s3;
	s0 =	sadd.s32 s1, s0  }
0xf: {  	s3 =	sadd.s32 s18, s1;
	s21 =	smax.u32 s5, $0x1;
	[dreg:$0x6] =	wrdreg s0  }
0x10: {  	s22 =	sadd.s32 $0x1400, s8;
	s23 =	sadd.s32 $0x2800, s8;
	[dreg:$0x8] =	wrdreg s21  }
0x11: {  	s24 =	sadd.s32 $0x3C00, s8;
	s25 =	sadd.s32 $0x5000, s8;
	[dreg:$0x9] =	wrdreg s22  }
0x12: {  	s26 =	sadd.s32 $0x6400, s8;
	s16 =	sadd.s32 $0x7800, s8;
	[dreg:$0xa] =	wrdreg s23  }
0x13: {  	s17 =	sadd.s32 $0x8C00, s8;
	s18 =	simm.s32 $0x4E20;
	[dreg:$0xb] =	wrdreg s24  }
0x14: {  	s1 =	simm.s32 $0x4;
	s20 =	sadd.s32 $0x25800, s3;
	[dreg:$0xc] =	wrdreg s25  }
0x15: {  	s0 =	sadd.s32 $0x96000, s2;
	[dreg:$0xd] =	wrdreg s26;
	s21 =	simm.s32 $0x1  }
0x16: {  	s22 =	simm.s32 $0x2;
	s23 =	simm.s32 $0x50;
	s24 =	simm.s32 $0x9C40  }
0x17: {  	s26 =	simm.s32 $0xA640;
	s3 =	simm.s32 $0x6;
	[dreg:$0x7] =	wrdreg s20  }
0x18: {  	v0 =	vimm.f32 $0.0e+00;
	s20 =	simm.s32 $0x7;
	s25 =	sshrl.u32 @p0 s0, $0x3;
	s0 =	simm.s32 $0x3  }
.LBB2_1:
0x19: {  	s5 =	simm.s32 $0x0;
	s7 =	rddreg [dreg:$0x4]  }
0x1a: {  	[tilespmem:s5], [sflag:$0x1] =	stream.linear.gather [hbm4b:s7+s5], $0x4E20, $0x38;
	[tilespmem:$0x18C40] =	vst v63  }
0x1b: {  	s15 =	rddreg [dreg:$0x5]  }
0x1c: {  	[tilespmem:s18], [sflag:$0x2] =	stream.linear.gather [hbm4b:s15+s5], $0x4E20, $0x38;
	[tilespmem:$0x18C40] =	vst v63  }
0x1d: {  	s7 =	simm.s32 $0x100;
	s5 =	simm.s32 $0x0  }
.LBB2_2:
0x1e: {  	p1 =	sne.s32 s7, $0x4F00;
	[tilespmem:s5+$0xD870] =	vst v0  }
0x1f: {  	[tilespmem:s5+$0xC440] =	vst v0  }
0x20: {  	[tilespmem:s5+$0xD840] =	vst v0  }
.Ltmp0:
0x21: {  	[tilespmem:s5+$0xC450] =	vst v0;
	(pc) =	sbr.rel @p1 .LBB2_2-.Ltmp0, $4  }
0x22: {  	[tilespmem:s5+$0xD850] =	vst v0  }
0x23: {  	[tilespmem:s5+$0xC460] =	vst v0  }
0x24: {  	[tilespmem:s5+$0xD860] =	vst v0  }
0x25: {  	[tilespmem:s5+$0xC470] =	vst v0;
	s5 =	sshra.s32 s7, $0x2;
	s7 =	sadd.s32 $0x100, s7  }
0x26: {  	[tilespmem:s5+$0xD870] =	vst v0  }
0x27: {  	[tilespmem:s5+$0xC440] =	vst v0  }
0x28: {  	[tilespmem:s5+$0xD840] =	vst v0  }
0x29: {  	[tilespmem:s5+$0xC450] =	vst v0  }
0x2a: {  	[tilespmem:s5+$0xD850] =	vst v0  }
0x2b: {  	[tilespmem:s5+$0xC460] =	vst v0  }
0x2c: {  	[tilespmem:s5+$0xD860] =	vst v0  }
0x2d: {  	[tilespmem:s5+$0xC470] =	vst v0  }
0x2e: {  	[spmem:s8] =	stream.linear.scatter [tilespmem:s19], [sflag:$0x7], $0x1400, $0x38;
	[tilespmem:$0x18C40] =	vst v63  }
0x2f: {  	_ =	swait.ge [sflag:s20], $0x1400  }
0x30: {  	[sflag:s20] =	ssyncset.done $0x0  }
0x31: {  	s11 =	rddreg [dreg:$0x9];
	[sflag:s20] =	ssyncadd.s32 $0xFFFFEC00  }
0x32: {  	[spmem:s11] =	stream.linear.scatter [tilespmem:s19], [sflag:$0x7], $0x1400, $0x38;
	[tilespmem:$0x18C40] =	vst v63  }
0x33: {  	_ =	swait.ge [sflag:s20], $0x1400  }
0x34: {  	[sflag:s20] =	ssyncset.done $0x0  }
0x35: {  	s12 =	rddreg [dreg:$0xa];
	[sflag:s20] =	ssyncadd.s32 $0xFFFFEC00  }
0x36: {  	[spmem:s12] =	stream.linear.scatter [tilespmem:s19], [sflag:$0x7], $0x1400, $0x38;
	[tilespmem:$0x18C40] =	vst v63  }
0x37: {  	_ =	swait.ge [sflag:s20], $0x1400  }
0x38: {  	[sflag:s20] =	ssyncset.done $0x0  }
0x39: {  	s13 =	rddreg [dreg:$0xb];
	[sflag:s20] =	ssyncadd.s32 $0xFFFFEC00  }
0x3a: {  	[spmem:s13] =	stream.linear.scatter [tilespmem:s19], [sflag:$0x7], $0x1400, $0x38;
	[tilespmem:$0x18C40] =	vst v63  }
0x3b: {  	_ =	swait.ge [sflag:s20], $0x1400  }
0x3c: {  	[sflag:s20] =	ssyncset.done $0x0  }
0x3d: {  	s14 =	rddreg [dreg:$0xc];
	[sflag:s20] =	ssyncadd.s32 $0xFFFFEC00  }
0x3e: {  	[spmem:s14] =	stream.linear.scatter [tilespmem:s19], [sflag:$0x7], $0x1400, $0x38;
	[tilespmem:$0x18C40] =	vst v63  }
0x3f: {  	_ =	swait.ge [sflag:s20], $0x1400  }
0x40: {  	[sflag:s20] =	ssyncset.done $0x0  }
0x41: {  	s15 =	rddreg [dreg:$0xd];
	[sflag:s20] =	ssyncadd.s32 $0xFFFFEC00  }
0x42: {  	[spmem:s15] =	stream.linear.scatter [tilespmem:s19], [sflag:$0x7], $0x1400, $0x38;
	[tilespmem:$0x18C40] =	vst v63  }
0x43: {  	_ =	swait.ge [sflag:s20], $0x1400  }
0x44: {  	[sflag:s20] =	ssyncset.done $0x0  }
0x45: {  	[sflag:s20] =	ssyncadd.s32 $0xFFFFEC00  }
0x46: {  	[spmem:s16] =	stream.linear.scatter [tilespmem:s19], [sflag:$0x7], $0x1400, $0x38;
	[tilespmem:$0x18C40] =	vst v63  }
0x47: {  	_ =	swait.ge [sflag:s20], $0x1400  }
0x48: {  	[sflag:s20] =	ssyncset.done $0x0  }
0x49: {  	[sflag:s20] =	ssyncadd.s32 $0xFFFFEC00  }
0x4a: {  	[spmem:s17] =	stream.linear.scatter [tilespmem:s19], [sflag:$0x7], $0x1400, $0x38;
	[tilespmem:$0x18C40] =	vst v63  }
0x4b: {  	_ =	swait.ge [sflag:s20], $0x1400  }
0x4c: {  	[sflag:s20] =	ssyncset.done $0x0  }
0x4d: {  	[sflag:s20] =	ssyncadd.s32 $0xFFFFEC00  }
0x4e: {  	_ =	swait.ge [sflag:s21], $0x4E20  }
0x4f: {  	[sflag:s21] =	ssyncset.done $0x0  }
0x50: {  	[sflag:s21] =	ssyncadd.s32 $0xFFFFB1E0  }
0x51: {  	_ =	swait.ge [sflag:s22], $0x4E20  }
0x52: {  	[sflag:s22] =	ssyncset.done $0x0  }
0x53: {  	[sflag:s22] =	ssyncadd.s32 $0xFFFFB1E0  }
0x54: {  	s5 =	simm.s32 $0x0;
	[bflag:$0x0] =	sbarrier.arrive $0xFFFF  }
0x55: {  	[tilespmem:s24], [sflag:$0x1] =	stream.indirect.gather [hbm4b:s6+s23], $0x20, s5, s23, $0xb8;
	[tilespmem:$0x18C40] =	vst v63  }
0x56: {  	_ = 	snop  }
0x57: {  	[tilespmem:s26], [sflag:$0x2] =	stream.indirect.gather [hbm4b:s6+s23], $0x20, s18, s23, $0xb8;
	[tilespmem:$0x18C40] =	vst v63  }
0x58: {  	_ = 	snop  }
0x59: {  	[spmem:s2] =	stream.indirect.scatter.add.f32 [tilespmem:s19], [sflag:$0x5], $0x40, s18, s23, $0xb8;
	[tilespmem:$0x18C40] =	vst v63  }
0x5a: {  	_ = 	snop  }
0x5b: {  	[spmem:s2] =	stream.indirect.scatter.add.f32 [tilespmem:s28], [sflag:$0x6], $0x40, s18, s23, $0xb8;
	[tilespmem:$0x18C40] =	vst v63  }
.LBB2_4:
0x5c: {  	s7 =	smul.u32 $0xA0, s5;
	_ =	sdelay $0x1  }
0x5d: {  	s9 =	sadd.s32 $0x50, s7  }
0x5e: {  	[tilespmem:s29], [sflag:$0x3] =	stream.indirect.gather [hbm4b:s6+s23], $0x20, s9, s23, $0xb8;
	[tilespmem:$0x18C40] =	vst v63  }
0x5f: {  	s7 =	sadd.s32 $0x4E70, s7  }
0x60: {  	[tilespmem:s30], [sflag:$0x4] =	stream.indirect.gather [hbm4b:s6+s23], $0x20, s7, s23, $0xb8;
	[tilespmem:$0x18C40] =	vst v63  }
0x61: {  	_ =	swait.ge [sflag:s21], $0xA00  }
0x62: {  	[sflag:s21] =	ssyncset.done $0x0  }
0x63: {  	[sflag:s21] =	ssyncadd.s32 $0xFFFFF600  }
0x64: {  	_ =	swait.ge [sflag:s22], $0xA00  }
0x65: {  	[sflag:s22] =	ssyncset.done $0x0  }
0x66: {  	[sflag:s22] =	ssyncadd.s32 $0xFFFFF600  }
0x67: {  	_ =	swait.ge [sflag:s31], $0x1400  }
0x68: {  	[sflag:s31] =	ssyncset.done $0x0  }
0x69: {  	s10 =	simm.s32 $0x9C80;
	[sflag:s31] =	ssyncadd.s32 $0xFFFFEC00  }
0x6a: {  	s9 =	simm.s32 $0xA680;
	v1 =	vld [tilespmem:s10+$0xFFFFFFC0]  }
0x6b: {  	v2 =	vld [tilespmem:s9+$0xFFFFFFC0];
	_ =	sdelay $0x4  }
0x6c: {  	v3 =	vshll.u32 v1, $0x10;
	v4 =	vshll.u32 v2, $0x10  }
0x6d: {  	v1 =	vand.u32 $0xFFFF0000, v1;
	v2 =	vand.u32 $0xFFFF0000, v2;
	v3 =	vadd.f32 v4, v3  }
0x6e: {  	v1 =	vadd.f32 v2, v1  }
0x6f: {  	s11 =	simm.s32 $0xC4C0;
	v2 =	vmax.f32 v3, $0.0e+00  }
0x70: {  	v1 =	vmax.f32 v1, $0.0e+00;
	[tilespmem:s11+$0xFFFFFF80] =	vst v2  }
0x71: {  	[tilespmem:s11+$0xFFFFFF90] =	vst v1  }
0x72: {  	v1 =	vld [tilespmem:s10+$0xFFFFFFD0]  }
0x73: {  	v2 =	vld [tilespmem:s9+$0xFFFFFFD0];
	_ =	sdelay $0x4  }
0x74: {  	v3 =	vshll.u32 v1, $0x10;
	v58 =	vshll.u32 v2, $0x10  }
0x75: {  	v1 =	vand.u32 $0xFFFF0000, v1;
	v2 =	vand.u32 $0xFFFF0000, v2;
	v3 =	vadd.f32 v58, v3  }
0x76: {  	v1 =	vadd.f32 v2, v1  }
0x77: {  	v2 =	vmax.f32 v3, $0.0e+00  }
0x78: {  	v1 =	vmax.f32 v1, $0.0e+00;
	[tilespmem:s11+$0xFFFFFFA0] =	vst v2  }
0x79: {  	[tilespmem:s11+$0xFFFFFFB0] =	vst v1  }
0x7a: {  	v1 =	vld [tilespmem:s10+$0xFFFFFFE0]  }
0x7b: {  	v2 =	vld [tilespmem:s9+$0xFFFFFFE0];
	_ =	sdelay $0x4  }
0x7c: {  	v3 =	vshll.u32 v1, $0x10;
	v59 =	vshll.u32 v2, $0x10  }
0x7d: {  	v1 =	vand.u32 $0xFFFF0000, v1;
	v2 =	vand.u32 $0xFFFF0000, v2;
	v3 =	vadd.f32 v59, v3  }
0x7e: {  	v1 =	vadd.f32 v2, v1  }
0x7f: {  	v2 =	vmax.f32 v3, $0.0e+00  }
0x80: {  	v1 =	vmax.f32 v1, $0.0e+00;
	[tilespmem:s11+$0xFFFFFFC0] =	vst v2  }
0x81: {  	[tilespmem:s11+$0xFFFFFFD0] =	vst v1  }
0x82: {  	v1 =	vld [tilespmem:s10+$0xFFFFFFF0]  }
0x83: {  	v2 =	vld [tilespmem:s9+$0xFFFFFFF0];
	_ =	sdelay $0x4  }
0x84: {  	v3 =	vshll.u32 v1, $0x10;
	v60 =	vshll.u32 v2, $0x10  }
0x85: {  	v1 =	vand.u32 $0xFFFF0000, v1;
	v2 =	vand.u32 $0xFFFF0000, v2;
	v3 =	vadd.f32 v60, v3  }
0x86: {  	v1 =	vadd.f32 v2, v1  }
0x87: {  	v2 =	vmax.f32 v3, $0.0e+00  }
0x88: {  	v1 =	vmax.f32 v1, $0.0e+00;
	[tilespmem:s11+$0xFFFFFFE0] =	vst v2  }
0x89: {  	[tilespmem:s11+$0xFFFFFFF0] =	vst v1  }
0x8a: {  	v1 =	vld [tilespmem:s10+$0x0]  }
0x8b: {  	v2 =	vld [tilespmem:s9+$0x0];
	_ =	sdelay $0x4  }
0x8c: {  	v3 =	vshll.u32 v1, $0x10;
	v61 =	vshll.u32 v2, $0x10  }
0x8d: {  	v1 =	vand.u32 $0xFFFF0000, v1;
	v2 =	vand.u32 $0xFFFF0000, v2;
	v3 =	vadd.f32 v61, v3  }
0x8e: {  	v1 =	vadd.f32 v2, v1  }
0x8f: {  	v2 =	vmax.f32 v3, $0.0e+00  }
0x90: {  	v1 =	vmax.f32 v1, $0.0e+00;
	[tilespmem:s11+$0x0] =	vst v2  }
0x91: {  	[tilespmem:s11+$0x10] =	vst v1  }
0x92: {  	v1 =	vld [tilespmem:s10+$0x10]  }
0x93: {  	v2 =	vld [tilespmem:s9+$0x10];
	_ =	sdelay $0x4  }
0x94: {  	v3 =	vshll.u32 v1, $0x10;
	v62 =	vshll.u32 v2, $0x10  }
0x95: {  	v1 =	vand.u32 $0xFFFF0000, v1;
	v2 =	vand.u32 $0xFFFF0000, v2;
	v3 =	vadd.f32 v62, v3  }
0x96: {  	v1 =	vadd.f32 v2, v1  }
0x97: {  	v2 =	vmax.f32 v3, $0.0e+00  }
0x98: {  	v1 =	vmax.f32 v1, $0.0e+00;
	[tilespmem:s11+$0x20] =	vst v2  }
0x99: {  	[tilespmem:s11+$0x30] =	vst v1  }
0x9a: {  	v1 =	vld [tilespmem:s10+$0x20]  }
0x9b: {  	v2 =	vld [tilespmem:s9+$0x20];
	_ =	sdelay $0x3  }
0x9c: {  	v3 =	vshll.u32 v1, $0x10  }
0x9d: {  	s13 =	simm.s32 $0x0;
	v63 =	vand.u32 $0xFFFF0000, v1;
	v1 =	vshll.u32 v2, $0x10;
	v2 =	vand.u32 $0xFFFF0000, v2  }
0x9e: {  	s15 =	simm.s32 $0xA700;
	s12 =	simm.s32 $0xC4C0;
	s14 =	simm.s32 $0x9C80;
	v1 =	vadd.f32 v1, v3;
	v2 =	vadd.f32 v2, v63  }
.LBB2_5:
0x9f: {  	s13 =	sadd.s32 $0x4, s13;
	s11 =	sadd.s32 $0x100, s11;
	s10 =	sadd.s32 $0x80, s10  }
0xa0: {  	p1 =	slt.u32 s13, $0x4C;
	v1 =	vmax.f32 v1, $0.0e+00;
	v2 =	vmax.f32 v2, $0.0e+00  }
0xa1: {  	[tilespmem:s12+$0x40] =	vst v1  }
0xa2: {  	[tilespmem:s12+$0x50] =	vst v2  }
0xa3: {  	v1 =	vld [tilespmem:s14+$0x30];
	s14 =	smov.u32 s10  }
0xa4: {  	v2 =	vld [tilespmem:s9+$0x30];
	s9 =	smov.u32 s15;
	_ =	sdelay $0x3  }
0xa5: {  	v3 =	vshll.u32 v1, $0x10;
	v1 =	vand.u32 $0xFFFF0000, v1  }
0xa6: {  	v4 =	vshll.u32 v2, $0x10;
	v2 =	vand.u32 $0xFFFF0000, v2  }
0xa7: {  	v3 =	vadd.f32 v4, v3;
	v1 =	vadd.f32 v2, v1;
	_ =	sdelay $0x1  }
0xa8: {  	v2 =	vmax.f32 v3, $0.0e+00;
	v1 =	vmax.f32 v1, $0.0e+00  }
0xa9: {  	[tilespmem:s12+$0x60] =	vst v2  }
0xaa: {  	[tilespmem:s12+$0x70] =	vst v1;
	s12 =	smov.u32 s11  }
0xab: {  	v1 =	vld [tilespmem:s10+$0xFFFFFFC0]  }
0xac: {  	v2 =	vld [tilespmem:s15+$0xFFFFFFC0];
	_ =	sdelay $0x3  }
0xad: {  	v3 =	vand.u32 $0xFFFF0000, v1  }
0xae: {  	v1 =	vshll.u32 v1, $0x10;
	v4 =	vshll.u32 v2, $0x10;
	v2 =	vand.u32 $0xFFFF0000, v2  }
0xaf: {  	v1 =	vadd.f32 v4, v1;
	v2 =	vadd.f32 v2, v3;
	_ =	sdelay $0x1  }
0xb0: {  	v1 =	vmax.f32 v1, $0.0e+00;
	v2 =	vmax.f32 v2, $0.0e+00  }
0xb1: {  	[tilespmem:s11+$0xFFFFFF80] =	vst v1  }
0xb2: {  	[tilespmem:s11+$0xFFFFFF90] =	vst v2  }
0xb3: {  	v1 =	vld [tilespmem:s10+$0xFFFFFFD0]  }
0xb4: {  	v2 =	vld [tilespmem:s15+$0xFFFFFFD0];
	_ =	sdelay $0x3  }
0xb5: {  	v3 =	vshll.u32 v1, $0x10;
	v1 =	vand.u32 $0xFFFF0000, v1  }
0xb6: {  	v4 =	vshll.u32 v2, $0x10;
	v2 =	vand.u32 $0xFFFF0000, v2  }
0xb7: {  	v3 =	vadd.f32 v4, v3;
	v1 =	vadd.f32 v2, v1;
	_ =	sdelay $0x1  }
0xb8: {  	v2 =	vmax.f32 v3, $0.0e+00;
	v1 =	vmax.f32 v1, $0.0e+00  }
0xb9: {  	[tilespmem:s11+$0xFFFFFFA0] =	vst v2  }
0xba: {  	[tilespmem:s11+$0xFFFFFFB0] =	vst v1  }
0xbb: {  	v1 =	vld [tilespmem:s10+$0xFFFFFFE0]  }
0xbc: {  	v2 =	vld [tilespmem:s15+$0xFFFFFFE0];
	_ =	sdelay $0x3  }
0xbd: {  	v3 =	vshll.u32 v1, $0x10;
	v1 =	vand.u32 $0xFFFF0000, v1  }
0xbe: {  	v4 =	vshll.u32 v2, $0x10;
	v2 =	vand.u32 $0xFFFF0000, v2  }
0xbf: {  	v3 =	vadd.f32 v4, v3;
	v1 =	vadd.f32 v2, v1;
	_ =	sdelay $0x1  }
0xc0: {  	v2 =	vmax.f32 v3, $0.0e+00;
	v1 =	vmax.f32 v1, $0.0e+00  }
0xc1: {  	[tilespmem:s11+$0xFFFFFFC0] =	vst v2  }
0xc2: {  	[tilespmem:s11+$0xFFFFFFD0] =	vst v1  }
0xc3: {  	v1 =	vld [tilespmem:s10+$0xFFFFFFF0]  }
0xc4: {  	v2 =	vld [tilespmem:s15+$0xFFFFFFF0];
	_ =	sdelay $0x3  }
0xc5: {  	v3 =	vshll.u32 v1, $0x10;
	v1 =	vand.u32 $0xFFFF0000, v1  }
0xc6: {  	v4 =	vshll.u32 v2, $0x10;
	v2 =	vand.u32 $0xFFFF0000, v2  }
0xc7: {  	v3 =	vadd.f32 v4, v3;
	v1 =	vadd.f32 v2, v1;
	_ =	sdelay $0x1  }
0xc8: {  	v2 =	vmax.f32 v3, $0.0e+00;
	v1 =	vmax.f32 v1, $0.0e+00  }
0xc9: {  	[tilespmem:s11+$0xFFFFFFE0] =	vst v2  }
0xca: {  	[tilespmem:s11+$0xFFFFFFF0] =	vst v1  }
0xcb: {  	v1 =	vld [tilespmem:s10+$0x0]  }
0xcc: {  	v2 =	vld [tilespmem:s15+$0x0];
	_ =	sdelay $0x3  }
0xcd: {  	v3 =	vshll.u32 v1, $0x10;
	v1 =	vand.u32 $0xFFFF0000, v1  }
0xce: {  	v4 =	vshll.u32 v2, $0x10;
	v2 =	vand.u32 $0xFFFF0000, v2  }
0xcf: {  	v3 =	vadd.f32 v4, v3;
	v1 =	vadd.f32 v2, v1;
	_ =	sdelay $0x1  }
0xd0: {  	v2 =	vmax.f32 v3, $0.0e+00;
	v1 =	vmax.f32 v1, $0.0e+00  }
0xd1: {  	[tilespmem:s11+$0x0] =	vst v2  }
0xd2: {  	[tilespmem:s11+$0x10] =	vst v1  }
0xd3: {  	v1 =	vld [tilespmem:s10+$0x10]  }
0xd4: {  	v2 =	vld [tilespmem:s15+$0x10];
	_ =	sdelay $0x3  }
0xd5: {  	v3 =	vshll.u32 v1, $0x10;
	v1 =	vand.u32 $0xFFFF0000, v1  }
0xd6: {  	v4 =	vshll.u32 v2, $0x10;
	v2 =	vand.u32 $0xFFFF0000, v2  }
0xd7: {  	v3 =	vadd.f32 v4, v3;
	v1 =	vadd.f32 v2, v1;
	_ =	sdelay $0x1  }
0xd8: {  	v2 =	vmax.f32 v3, $0.0e+00;
	v1 =	vmax.f32 v1, $0.0e+00  }
0xd9: {  	[tilespmem:s11+$0x20] =	vst v2  }
0xda: {  	[tilespmem:s11+$0x30] =	vst v1  }
0xdb: {  	v1 =	vld [tilespmem:s10+$0x20]  }
0xdc: {  	v2 =	vld [tilespmem:s15+$0x20];
	_ =	sdelay $0x1  }
.Ltmp1:
0xdd: {  	(pc) =	sbr.rel @p1 .LBB2_5-.Ltmp1, $4  }
0xde: {  	_ = 	snop  }
0xdf: {  	v3 =	vshll.u32 v1, $0x10;
	v4 =	vand.u32 $0xFFFF0000, v1  }
0xe0: {  	v1 =	vshll.u32 v2, $0x10;
	v2 =	vand.u32 $0xFFFF0000, v2  }
0xe1: {  	s15 =	sadd.s32 $0x80, s15;
	v1 =	vadd.f32 v1, v3;
	v2 =	vadd.f32 v2, v4  }
0xe2: {  	_ = 	snop  }
0xe3: {  	v1 =	vmax.f32 v1, $0.0e+00  }
0xe4: {  	v2 =	vmax.f32 v2, $0.0e+00;
	[tilespmem:s12+$0x40] =	vst v1  }
0xe5: {  	[tilespmem:s12+$0x50] =	vst v2  }
0xe6: {  	v1 =	vld [tilespmem:s14+$0x30]  }
0xe7: {  	v2 =	vld [tilespmem:s9+$0x30];
	_ =	sdelay $0x4  }
0xe8: {  	v3 =	vshll.u32 v1, $0x10;
	v4 =	vshll.u32 v2, $0x10  }
0xe9: {  	s13 =	sshll.u32 s5, $0x1;
	v1 =	vand.u32 $0xFFFF0000, v1;
	v2 =	vand.u32 $0xFFFF0000, v2;
	v3 =	vadd.f32 v4, v3  }
0xea: {  	s9 =	smin.u32 s13, $0xF7;
	v1 =	vadd.f32 v2, v1  }
0xeb: {  	s9 =	smul.u32 $0x50, s9;
	v2 =	vmax.f32 v3, $0.0e+00  }
0xec: {  	v1 =	vmax.f32 v1, $0.0e+00;
	[tilespmem:s12+$0x60] =	vst v2  }
0xed: {  	s14 =	smul.u32 $0x280, s5;
	s10 =	sadd.s32 $0xA0, s9;
	[tilespmem:s12+$0x70] =	vst v1  }
0xee: {  	[tilespmem:s24], [sflag:$0x1] =	stream.indirect.gather [hbm4b:s6+s23], $0x20, s10, s23, $0xb8;
	[tilespmem:$0x18C40] =	vst v63  }
0xef: {  	s15 =	sshra.s32 s14, $0x2;
	s9 =	sadd.s32 $0x4EC0, s9  }
0xf0: {  	[tilespmem:s26], [sflag:$0x2] =	stream.indirect.gather [hbm4b:s6+s23], $0x20, s9, s23, $0xb8;
	[tilespmem:$0x18C40] =	vst v63  }
0xf1: {  	s9 =	sadd.s32 $0x4E20, s15  }
0xf2: {  	[spmem:s2] =	stream.indirect.scatter.add.f32 [tilespmem:s19], [sflag:$0x5], $0x40, s9, s23, $0xb8;
	[tilespmem:$0x18C40] =	vst v63  }
0xf3: {  	_ =	swait.ge [sflag:s0], $0xA00  }
0xf4: {  	[sflag:s0] =	ssyncset.done $0x0  }
0xf5: {  	[sflag:s0] =	ssyncadd.s32 $0xFFFFF600  }
0xf6: {  	_ =	swait.ge [sflag:s1], $0xA00  }
0xf7: {  	[sflag:s1] =	ssyncset.done $0x0  }
0xf8: {  	[sflag:s1] =	ssyncadd.s32 $0xFFFFF600  }
0xf9: {  	_ =	swait.ge [sflag:s3], $0x1400  }
0xfa: {  	[sflag:s3] =	ssyncset.done $0x0  }
0xfb: {  	s10 =	simm.s32 $0xB080;
	[sflag:s3] =	ssyncadd.s32 $0xFFFFEC00  }
0xfc: {  	s9 =	simm.s32 $0xBA80;
	v1 =	vld [tilespmem:s10+$0xFFFFFFC0]  }
0xfd: {  	v2 =	vld [tilespmem:s9+$0xFFFFFFC0];
	_ =	sdelay $0x4  }
0xfe: {  	v3 =	vshll.u32 v1, $0x10;
	v57 =	vshll.u32 v2, $0x10  }
0xff: {  	v1 =	vand.u32 $0xFFFF0000, v1;
	v2 =	vand.u32 $0xFFFF0000, v2;
	v3 =	vadd.f32 v57, v3  }
0x100: {  	v1 =	vadd.f32 v2, v1  }
0x101: {  	s11 =	simm.s32 $0xD8C0;
	v2 =	vmax.f32 v3, $0.0e+00  }
0x102: {  	v1 =	vmax.f32 v1, $0.0e+00;
	[tilespmem:s11+$0xFFFFFF80] =	vst v2  }
0x103: {  	[tilespmem:s11+$0xFFFFFF90] =	vst v1  }
0x104: {  	v1 =	vld [tilespmem:s10+$0xFFFFFFD0]  }
0x105: {  	v2 =	vld [tilespmem:s9+$0xFFFFFFD0];
	_ =	sdelay $0x4  }
0x106: {  	v3 =	vshll.u32 v1, $0x10;
	v58 =	vshll.u32 v2, $0x10  }
0x107: {  	v1 =	vand.u32 $0xFFFF0000, v1;
	v2 =	vand.u32 $0xFFFF0000, v2;
	v3 =	vadd.f32 v58, v3  }
0x108: {  	v1 =	vadd.f32 v2, v1  }
0x109: {  	v2 =	vmax.f32 v3, $0.0e+00  }
0x10a: {  	v1 =	vmax.f32 v1, $0.0e+00;
	[tilespmem:s11+$0xFFFFFFA0] =	vst v2  }
0x10b: {  	[tilespmem:s11+$0xFFFFFFB0] =	vst v1  }
0x10c: {  	v1 =	vld [tilespmem:s10+$0xFFFFFFE0]  }
0x10d: {  	v2 =	vld [tilespmem:s9+$0xFFFFFFE0];
	_ =	sdelay $0x4  }
0x10e: {  	v3 =	vshll.u32 v1, $0x10;
	v59 =	vshll.u32 v2, $0x10  }
0x10f: {  	v1 =	vand.u32 $0xFFFF0000, v1;
	v2 =	vand.u32 $0xFFFF0000, v2;
	v3 =	vadd.f32 v59, v3  }
0x110: {  	v1 =	vadd.f32 v2, v1  }
0x111: {  	v2 =	vmax.f32 v3, $0.0e+00  }
0x112: {  	v1 =	vmax.f32 v1, $0.0e+00;
	[tilespmem:s11+$0xFFFFFFC0] =	vst v2  }
0x113: {  	[tilespmem:s11+$0xFFFFFFD0] =	vst v1  }
0x114: {  	v1 =	vld [tilespmem:s10+$0xFFFFFFF0]  }
0x115: {  	v2 =	vld [tilespmem:s9+$0xFFFFFFF0];
	_ =	sdelay $0x4  }
0x116: {  	v3 =	vshll.u32 v1, $0x10;
	v60 =	vshll.u32 v2, $0x10  }
0x117: {  	v1 =	vand.u32 $0xFFFF0000, v1;
	v2 =	vand.u32 $0xFFFF0000, v2;
	v3 =	vadd.f32 v60, v3  }
0x118: {  	v1 =	vadd.f32 v2, v1  }
0x119: {  	v2 =	vmax.f32 v3, $0.0e+00  }
0x11a: {  	v1 =	vmax.f32 v1, $0.0e+00;
	[tilespmem:s11+$0xFFFFFFE0] =	vst v2  }
0x11b: {  	[tilespmem:s11+$0xFFFFFFF0] =	vst v1  }
0x11c: {  	v1 =	vld [tilespmem:s10+$0x0]  }
0x11d: {  	v2 =	vld [tilespmem:s9+$0x0];
	_ =	sdelay $0x4  }
0x11e: {  	v3 =	vshll.u32 v1, $0x10;
	v61 =	vshll.u32 v2, $0x10  }
0x11f: {  	v1 =	vand.u32 $0xFFFF0000, v1;
	v2 =	vand.u32 $0xFFFF0000, v2;
	v3 =	vadd.f32 v61, v3  }
0x120: {  	v1 =	vadd.f32 v2, v1  }
0x121: {  	v2 =	vmax.f32 v3, $0.0e+00  }
0x122: {  	v1 =	vmax.f32 v1, $0.0e+00;
	[tilespmem:s11+$0x0] =	vst v2  }
0x123: {  	[tilespmem:s11+$0x10] =	vst v1  }
0x124: {  	v1 =	vld [tilespmem:s10+$0x10]  }
0x125: {  	v2 =	vld [tilespmem:s9+$0x10];
	_ =	sdelay $0x4  }
0x126: {  	v3 =	vshll.u32 v1, $0x10;
	v62 =	vshll.u32 v2, $0x10  }
0x127: {  	v1 =	vand.u32 $0xFFFF0000, v1;
	v2 =	vand.u32 $0xFFFF0000, v2;
	v3 =	vadd.f32 v62, v3  }
0x128: {  	v1 =	vadd.f32 v2, v1  }
0x129: {  	v2 =	vmax.f32 v3, $0.0e+00  }
0x12a: {  	v1 =	vmax.f32 v1, $0.0e+00;
	[tilespmem:s11+$0x20] =	vst v2  }
0x12b: {  	[tilespmem:s11+$0x30] =	vst v1  }
0x12c: {  	v1 =	vld [tilespmem:s10+$0x20]  }
0x12d: {  	v2 =	vld [tilespmem:s9+$0x20];
	_ =	sdelay $0x3  }
0x12e: {  	v3 =	vshll.u32 v1, $0x10  }
0x12f: {  	s13 =	simm.s32 $0x0;
	v63 =	vand.u32 $0xFFFF0000, v1;
	v1 =	vshll.u32 v2, $0x10;
	v2 =	vand.u32 $0xFFFF0000, v2  }
0x130: {  	s14 =	simm.s32 $0xB080;
	s12 =	simm.s32 $0xD8C0;
	s15 =	simm.s32 $0xBB00;
	v1 =	vadd.f32 v1, v3;
	v2 =	vadd.f32 v2, v63  }
.LBB2_7:
0x131: {  	s13 =	sadd.s32 $0x4, s13;
	s11 =	sadd.s32 $0x100, s11;
	s10 =	sadd.s32 $0x80, s10  }
0x132: {  	p1 =	slt.u32 s13, $0x4C;
	v1 =	vmax.f32 v1, $0.0e+00;
	v2 =	vmax.f32 v2, $0.0e+00  }
0x133: {  	[tilespmem:s12+$0x40] =	vst v1  }
0x134: {  	[tilespmem:s12+$0x50] =	vst v2  }
0x135: {  	v1 =	vld [tilespmem:s14+$0x30];
	s14 =	smov.u32 s10  }
0x136: {  	v2 =	vld [tilespmem:s9+$0x30];
	s9 =	smov.u32 s15;
	_ =	sdelay $0x3  }
0x137: {  	v3 =	vshll.u32 v1, $0x10;
	v1 =	vand.u32 $0xFFFF0000, v1  }
0x138: {  	v4 =	vshll.u32 v2, $0x10;
	v2 =	vand.u32 $0xFFFF0000, v2  }
0x139: {  	v3 =	vadd.f32 v4, v3;
	v1 =	vadd.f32 v2, v1;
	_ =	sdelay $0x1  }
0x13a: {  	v2 =	vmax.f32 v3, $0.0e+00;
	v1 =	vmax.f32 v1, $0.0e+00  }
0x13b: {  	[tilespmem:s12+$0x60] =	vst v2  }
0x13c: {  	[tilespmem:s12+$0x70] =	vst v1;
	s12 =	smov.u32 s11  }
0x13d: {  	v1 =	vld [tilespmem:s10+$0xFFFFFFC0]  }
0x13e: {  	v2 =	vld [tilespmem:s15+$0xFFFFFFC0];
	_ =	sdelay $0x3  }
0x13f: {  	v3 =	vand.u32 $0xFFFF0000, v1  }
0x140: {  	v1 =	vshll.u32 v1, $0x10;
	v4 =	vshll.u32 v2, $0x10;
	v2 =	vand.u32 $0xFFFF0000, v2  }
0x141: {  	v1 =	vadd.f32 v4, v1;
	v2 =	vadd.f32 v2, v3;
	_ =	sdelay $0x1  }
0x142: {  	v1 =	vmax.f32 v1, $0.0e+00;
	v2 =	vmax.f32 v2, $0.0e+00  }
0x143: {  	[tilespmem:s11+$0xFFFFFF80] =	vst v1  }
0x144: {  	[tilespmem:s11+$0xFFFFFF90] =	vst v2  }
0x145: {  	v1 =	vld [tilespmem:s10+$0xFFFFFFD0]  }
0x146: {  	v2 =	vld [tilespmem:s15+$0xFFFFFFD0];
	_ =	sdelay $0x3  }
0x147: {  	v3 =	vshll.u32 v1, $0x10;
	v1 =	vand.u32 $0xFFFF0000, v1  }
0x148: {  	v4 =	vshll.u32 v2, $0x10;
	v2 =	vand.u32 $0xFFFF0000, v2  }
0x149: {  	v3 =	vadd.f32 v4, v3;
	v1 =	vadd.f32 v2, v1;
	_ =	sdelay $0x1  }
0x14a: {  	v2 =	vmax.f32 v3, $0.0e+00;
	v1 =	vmax.f32 v1, $0.0e+00  }
0x14b: {  	[tilespmem:s11+$0xFFFFFFA0] =	vst v2  }
0x14c: {  	[tilespmem:s11+$0xFFFFFFB0] =	vst v1  }
0x14d: {  	v1 =	vld [tilespmem:s10+$0xFFFFFFE0]  }
0x14e: {  	v2 =	vld [tilespmem:s15+$0xFFFFFFE0];
	_ =	sdelay $0x3  }
0x14f: {  	v3 =	vshll.u32 v1, $0x10;
	v1 =	vand.u32 $0xFFFF0000, v1  }
0x150: {  	v4 =	vshll.u32 v2, $0x10;
	v2 =	vand.u32 $0xFFFF0000, v2  }
0x151: {  	v3 =	vadd.f32 v4, v3;
	v1 =	vadd.f32 v2, v1;
	_ =	sdelay $0x1  }
0x152: {  	v2 =	vmax.f32 v3, $0.0e+00;
	v1 =	vmax.f32 v1, $0.0e+00  }
0x153: {  	[tilespmem:s11+$0xFFFFFFC0] =	vst v2  }
0x154: {  	[tilespmem:s11+$0xFFFFFFD0] =	vst v1  }
0x155: {  	v1 =	vld [tilespmem:s10+$0xFFFFFFF0]  }
0x156: {  	v2 =	vld [tilespmem:s15+$0xFFFFFFF0];
	_ =	sdelay $0x3  }
0x157: {  	v3 =	vshll.u32 v1, $0x10;
	v1 =	vand.u32 $0xFFFF0000, v1  }
0x158: {  	v4 =	vshll.u32 v2, $0x10;
	v2 =	vand.u32 $0xFFFF0000, v2  }
0x159: {  	v3 =	vadd.f32 v4, v3;
	v1 =	vadd.f32 v2, v1;
	_ =	sdelay $0x1  }
0x15a: {  	v2 =	vmax.f32 v3, $0.0e+00;
	v1 =	vmax.f32 v1, $0.0e+00  }
0x15b: {  	[tilespmem:s11+$0xFFFFFFE0] =	vst v2  }
0x15c: {  	[tilespmem:s11+$0xFFFFFFF0] =	vst v1  }
0x15d: {  	v1 =	vld [tilespmem:s10+$0x0]  }
0x15e: {  	v2 =	vld [tilespmem:s15+$0x0];
	_ =	sdelay $0x3  }
0x15f: {  	v3 =	vshll.u32 v1, $0x10;
	v1 =	vand.u32 $0xFFFF0000, v1  }
0x160: {  	v4 =	vshll.u32 v2, $0x10;
	v2 =	vand.u32 $0xFFFF0000, v2  }
0x161: {  	v3 =	vadd.f32 v4, v3;
	v1 =	vadd.f32 v2, v1;
	_ =	sdelay $0x1  }
0x162: {  	v2 =	vmax.f32 v3, $0.0e+00;
	v1 =	vmax.f32 v1, $0.0e+00  }
0x163: {  	[tilespmem:s11+$0x0] =	vst v2  }
0x164: {  	[tilespmem:s11+$0x10] =	vst v1  }
0x165: {  	v1 =	vld [tilespmem:s10+$0x10]  }
0x166: {  	v2 =	vld [tilespmem:s15+$0x10];
	_ =	sdelay $0x3  }
0x167: {  	v3 =	vshll.u32 v1, $0x10;
	v1 =	vand.u32 $0xFFFF0000, v1  }
0x168: {  	v4 =	vshll.u32 v2, $0x10;
	v2 =	vand.u32 $0xFFFF0000, v2  }
0x169: {  	v3 =	vadd.f32 v4, v3;
	v1 =	vadd.f32 v2, v1;
	_ =	sdelay $0x1  }
0x16a: {  	v2 =	vmax.f32 v3, $0.0e+00;
	v1 =	vmax.f32 v1, $0.0e+00  }
0x16b: {  	[tilespmem:s11+$0x20] =	vst v2  }
0x16c: {  	[tilespmem:s11+$0x30] =	vst v1  }
0x16d: {  	v1 =	vld [tilespmem:s10+$0x20]  }
0x16e: {  	v2 =	vld [tilespmem:s15+$0x20];
	_ =	sdelay $0x1  }
.Ltmp2:
0x16f: {  	(pc) =	sbr.rel @p1 .LBB2_7-.Ltmp2, $4  }
0x170: {  	_ = 	snop  }
0x171: {  	v3 =	vshll.u32 v1, $0x10;
	v4 =	vand.u32 $0xFFFF0000, v1  }
0x172: {  	v1 =	vshll.u32 v2, $0x10;
	v2 =	vand.u32 $0xFFFF0000, v2  }
0x173: {  	s15 =	sadd.s32 $0x80, s15;
	v1 =	vadd.f32 v1, v3;
	v2 =	vadd.f32 v2, v4  }
0x174: {  	_ = 	snop  }
0x175: {  	v1 =	vmax.f32 v1, $0.0e+00  }
0x176: {  	v2 =	vmax.f32 v2, $0.0e+00;
	[tilespmem:s12+$0x40] =	vst v1  }
0x177: {  	[tilespmem:s12+$0x50] =	vst v2  }
0x178: {  	v1 =	vld [tilespmem:s14+$0x30]  }
0x179: {  	v2 =	vld [tilespmem:s9+$0x30];
	_ =	sdelay $0x4  }
0x17a: {  	s5 =	sadd.s32 $0x1, s5;
	v3 =	vshll.u32 v1, $0x10;
	v4 =	vshll.u32 v2, $0x10  }
0x17b: {  	p1 =	sne.s32 s5, $0x7D;
	v1 =	vand.u32 $0xFFFF0000, v1;
	v2 =	vand.u32 $0xFFFF0000, v2;
	v3 =	vadd.f32 v4, v3  }
.Ltmp3:
0x17c: {  	v1 =	vadd.f32 v2, v1;
	(pc) =	sbr.rel @p1 .LBB2_4-.Ltmp3, $4  }
0x17d: {  	v2 =	vmax.f32 v3, $0.0e+00  }
0x17e: {  	v1 =	vmax.f32 v1, $0.0e+00;
	[tilespmem:s12+$0x60] =	vst v2  }
0x17f: {  	[tilespmem:s12+$0x70] =	vst v1  }
0x180: {  	[spmem:s2] =	stream.indirect.scatter.add.f32 [tilespmem:s28], [sflag:$0x6], $0x40, s7, s23, $0xb8;
	[tilespmem:$0x18C40] =	vst v63  }
0x181: {  	_ =	swait.ge [sflag:s21], $0xA00  }
0x182: {  	[sflag:s21] =	ssyncset.done $0x0  }
0x183: {  	[sflag:s21] =	ssyncadd.s32 $0xFFFFF600  }
0x184: {  	_ =	swait.ge [sflag:s22], $0xA00  }
0x185: {  	[sflag:s22] =	ssyncset.done $0x0  }
0x186: {  	[sflag:s22] =	ssyncadd.s32 $0xFFFFF600  }
0x187: {  	_ =	swait.ge [sflag:s31], $0x1400  }
0x188: {  	[sflag:s31] =	ssyncset.done $0x0  }
0x189: {  	[sflag:s31] =	ssyncadd.s32 $0xFFFFEC00  }
0x18a: {  	_ =	swait.ge [sflag:s3], $0x1400  }
0x18b: {  	[sflag:s3] =	ssyncset.done $0x0  }
0x18c: {  	[sflag:s3] =	ssyncadd.s32 $0xFFFFEC00  }
0x18d: {  	s5 =	simm.s32 @p0 $0x1;
	s7 =	simm.s32 @p0 $0x10;
	[bflag:$0x0] =	sbarrier.arrive $0xFFFF  }
0x18e: {  	s9 =	simm.s32 @p0 $0x8;
	s10 =	simm.s32 @p0 $0x1FC7;
	s11 =	rddreg [dreg:$0x7]  }
0x18f: {  	[hbm:s11@s7], [sflag:s10] =	dma.strided @p0 [spmem:s25@s9], $0xC80, s5, $0x8   }
0x190: {  	s5 =	simm.s32 @p0 $0x7;
	s7 =	stileid.u32;
	s9 =	simm.s32 @!p0 $0x1  }
0x191: {  	s10 =	simm.s32 @!p0 $0x10;
	s11 =	simm.s32 @!p0 $0x8;
	_ =	swait.ge @p0 [sflag:s5], $0xC80  }
0x192: {  	s7 =	sshll.u32 @!p0 s7, $0x6;
	[sflag:s5] =	ssyncset.done @p0 $0x0;
	s12 =	rddreg [dreg:$0x6]  }
0x193: {  	[sflag:s5] =	ssyncadd.s32 @p0 $0xFFFFF380;
	s5 =	sor.u32 @!p0 $0x1C07, s7;
	s7 =	sshrl.u32 @!p0 s8, $0x3  }
0x194: {  	[hbm:s12@s10], [sflag:s5] =	dma.strided @!p0 [spmem:s7@s11], $0x1400, s9, $0x8   }
0x195: {  	s5 =	simm.s32 @!p0 $0x7  }
0x196: {  	_ =	swait.ge @!p0 [sflag:s5], $0x1400  }
0x197: {  	s4 =	sadd.s32 $0x1, s4;
	s15 =	rddreg [dreg:$0x8]  }
0x198: {  	p1 =	sne.s32 s4, s15  }
.Ltmp4:
0x199: {  	_ = 	snop;
	(pc) =	sbr.rel @p1 .LBB2_1-.Ltmp4, $3  }
0x19a: {  	_ =	sdelay $0x1  }
0x19b: {  	[sflag:s5] =	ssyncset.done @!p0 $0x0  }
0x19c: {  	[sflag:s5] =	ssyncadd.s32 @!p0 $0xFFFFEC00  }
0x19d: {  	_ =	sfence.sel $0x180000  }
0x19e: {  	[bflag:$0x0] =	sbarrier.arrive $0xFFFF  }
0x19f: {  	_ =	strace $0x90000047  }
0x1a0: {  	s0 =	stileid.u32;
	[bflag:$0x2] =	sbarrier.arrive $0xFFFF  }
0x1a1: {  	p0 =	sne.s32 s0, $0x0;
	s0 =	rddreg [dreg:$0x3]  }
0x1a2: {  	s0 =	sadd.s32 @!p0 $0x100000, s0  }
0x1a3: {  	[sflag:s0] =	ssyncadd.tile.s32 @!p0 $0x1;
	_ =	shalt  }
.Lfunc_end2:
_tile_overlayer_lowered:
.L_overlay_start_2:
0x1a4: {  	(tag) =	ssettag $0x2  }
0x1a5: {  	s0 =	rddreg [dreg:$0x0];
	s2 =	stileid.u32  }
0x1a6: {  	s1 =	rddreg [dreg:$0x1];
	p0 =	sne.s32 s2, $0x0  }
0x1a7: {  	s3 =	rddreg [dreg:$0x2];
	[bflag:$0x3] =	sbarrier.arrive $0xFFFF;
	s2 =	simm.s32 @!p0 $0x1C07  }
0x1a8: {  	[timem:s3], [sflag:s2] =	dma.local @!p0 [hbm:s0], s1  }
0x1a9: {  	s0 =	simm.s32 @!p0 $0x7  }
0x1aa: {  	_ =	swait.ge @!p0 [sflag:s0], s1  }
0x1ab: {  	s1 =	ssub.s32 @!p0 $0x0, s1;
	[sflag:s0] =	ssyncset.done @!p0 $0x0  }
0x1ac: {  	[sflag:s0] =	ssyncadd.s32 @!p0 s1  }
0x1ad: {  	[bflag:$0x3] =	sbarrier.arrive $0xFFFF  }
0x1ae: {  	_ =	shalt  }

</sc_bundles>
